<compile_context>
chip_gen: v7x
topology: tpu7x:2x2x1
jax: 0.10.2.dev20260603
libtpu: 0.0.44.dev20260713+nightly
codegen_flags: <defaults>
</compile_context>

<pallas_src>
import functools

import jax
import jax.numpy as jnp
from jax import lax
from jax.experimental import pallas as pl
from jax.experimental.pallas import tpu as pltpu
from jax.experimental.pallas import tpu_sc as plsc

B = 4096
D0 = 2048
D1 = 1024
D2 = 512
LATENT = 2048
NUM_MODES = 64
MODE_DIM = 512

TB = 256
JB = 512
NB = 18
NSLOT = NB * TB


def _tables_body(mt_ref, ws_ref, bs_ref, wh_ref, bh_ref, st_ref, ht_ref):
    mt = mt_ref[...]
    dn = (((1,), (1,)), ((), ()))
    st_ref[...] = jax.lax.dot_general(
        mt, ws_ref[...], dn, preferred_element_type=jnp.float32) + bs_ref[...]
    ht_ref[...] = jax.lax.dot_general(
        mt, wh_ref[...], dn, preferred_element_type=jnp.float32) + bh_ref[...]


def _film_tables(mode_table, Ws, bs, Wh, bh):
    return pl.pallas_call(
        _tables_body,
        out_shape=(
            jax.ShapeDtypeStruct((NUM_MODES, LATENT), jnp.float32),
            jax.ShapeDtypeStruct((NUM_MODES, LATENT), jnp.float32),
        ),
    )(mode_table, Ws, bs.reshape(1, LATENT), Wh, bh.reshape(1, LATENT))


@functools.lru_cache(maxsize=None)
def _make_sc_row_gather(n_out, d, dtype, rows_per_chunk):
    info = plsc.get_sparse_core_info()
    nw = info.num_cores * info.num_subcores
    per_w = n_out // nw
    n_chunks = per_w // rows_per_chunk
    assert per_w % rows_per_chunk == 0 and rows_per_chunk % 8 == 0
    mesh = plsc.VectorSubcoreMesh(core_axis_name="c", subcore_axis_name="s")

    @functools.partial(
        pl.kernel, mesh=mesh,
        out_type=jax.ShapeDtypeStruct((n_out, d), dtype),
        scratch_types=[
            pltpu.VMEM((per_w,), jnp.int32),
            pltpu.VMEM((rows_per_chunk, d), dtype),
            pltpu.SemaphoreType.DMA,
        ],
    )
    def gather_k(table_hbm, idx_hbm, out_hbm, idx_v, rows_v, sem):
        wid = lax.axis_index("s") * info.num_cores + lax.axis_index("c")
        base = wid * per_w
        pltpu.sync_copy(idx_hbm.at[pl.ds(base, per_w)], idx_v)
        for c in range(n_chunks):
            off = c * rows_per_chunk
            pltpu.async_copy(
                table_hbm.at[idx_v.at[pl.ds(off, rows_per_chunk)]],
                rows_v, sem).wait()
            pltpu.sync_copy(rows_v, out_hbm.at[pl.ds(base + off, rows_per_chunk)])

    return gather_k


def _gather_x(table, idx):
    return _make_sc_row_gather(NSLOT, D0, jnp.float32, 48)(table, idx)


def _gather_out(table, idx):
    return _make_sc_row_gather(B, LATENT, jnp.float32, 32)(table, idx)


def _mm_body(be_ref, x_ref, w0_ref, b0_ref, w1_ref, b1_ref, w2_ref, b2_ref,
             st_ref, ht_ref, mode_ref, out_ref):
    i = pl.program_id(0)
    j = pl.program_id(1)
    e = be_ref[i]
    jsl = pl.ds(j * JB, JB)
    x = x_ref[...].astype(jnp.bfloat16)
    mode = mode_ref[0, 0, :]
    iota = jax.lax.broadcasted_iota(jnp.int32, (TB, NUM_MODES), 1)
    onehot = (mode[:, None] == iota).astype(jnp.bfloat16)
    dng = (((1,), (0,)), ((), ()))
    s = jax.lax.dot_general(onehot, st_ref[:, jsl], dng,
                            preferred_element_type=jnp.float32)
    h = jax.lax.dot_general(onehot, ht_ref[:, jsl], dng,
                            preferred_element_type=jnp.float32)
    dn = (((1,), (1,)), ((), ()))

    @pl.when(e == 0)
    def _():
        p = jax.lax.dot_general(x, w0_ref[jsl, :], dn,
                                preferred_element_type=jnp.float32)
        p = p + b0_ref[:, jsl]
        out_ref[...] = p * (1.0 + s) + h

    @pl.when(e == 1)
    def _():
        p = jax.lax.dot_general(x[:, :D1], w1_ref[jsl, :], dn,
                                preferred_element_type=jnp.float32)
        p = p + b1_ref[:, jsl]
        out_ref[...] = p * (1.0 + s) + h

    @pl.when(e == 2)
    def _():
        p = jax.lax.dot_general(x[:, :D2], w2_ref[jsl, :], dn,
                                preferred_element_type=jnp.float32)
        p = p + b2_ref[:, jsl]
        out_ref[...] = p * (1.0 + s) + h


def _grouped_mm(block_expert, x_sorted, w0, b0, w1, b1, w2, b2, stb, htb, mode3):
    grid_spec = pltpu.PrefetchScalarGridSpec(
        num_scalar_prefetch=1,
        grid=(NB, LATENT // JB),
        in_specs=[
            pl.BlockSpec((TB, D0), lambda i, j, be: (i, 0)),
            pl.BlockSpec((LATENT, D0), lambda i, j, be: (0, 0)),
            pl.BlockSpec((1, LATENT), lambda i, j, be: (0, 0)),
            pl.BlockSpec((LATENT, D1), lambda i, j, be: (0, 0)),
            pl.BlockSpec((1, LATENT), lambda i, j, be: (0, 0)),
            pl.BlockSpec((LATENT, D2), lambda i, j, be: (0, 0)),
            pl.BlockSpec((1, LATENT), lambda i, j, be: (0, 0)),
            pl.BlockSpec((NUM_MODES, LATENT), lambda i, j, be: (0, 0)),
            pl.BlockSpec((NUM_MODES, LATENT), lambda i, j, be: (0, 0)),
            pl.BlockSpec((1, 1, TB), lambda i, j, be: (i, 0, 0)),
        ],
        out_specs=pl.BlockSpec((TB, JB), lambda i, j, be: (i, j)),
    )
    return pl.pallas_call(
        _mm_body,
        grid_spec=grid_spec,
        out_shape=jax.ShapeDtypeStruct((NSLOT, LATENT), jnp.float32),
    )(block_expert, x_sorted, w0, b0.reshape(1, LATENT), w1,
      b1.reshape(1, LATENT), w2, b2.reshape(1, LATENT), stb, htb, mode3)


@jax.jit
def kernel(features, modality_ids, mode_ids, W0, b0, W1, b1, W2, b2,
           mode_table, Ws, bs, Wh, bh):
    mids = modality_ids.astype(jnp.int32)
    oh = (mids[:, None] == jnp.arange(3, dtype=jnp.int32)[None, :]).astype(jnp.int32)
    counts = oh.sum(axis=0)
    pc = ((counts + TB - 1) // TB) * TB
    start = jnp.concatenate(
        [jnp.zeros((1,), jnp.int32), jnp.cumsum(pc)[:2].astype(jnp.int32)])
    rank = jnp.cumsum(oh, axis=0) - oh
    rank_t = jnp.take_along_axis(rank, mids[:, None], axis=1)[:, 0]
    slots = start[mids] + rank_t.astype(jnp.int32)
    ridx = jnp.zeros((NSLOT,), jnp.int32).at[slots].set(
        jnp.arange(B, dtype=jnp.int32))
    bstart = jnp.arange(NB, dtype=jnp.int32) * TB
    block_expert = ((bstart >= pc[0]).astype(jnp.int32)
                    + (bstart >= pc[0] + pc[1]).astype(jnp.int32))
    mode_sorted = jnp.take(mode_ids.astype(jnp.int32), ridx)
    mode3 = mode_sorted.reshape(NB, 1, TB)

    st, ht = _film_tables(mode_table, Ws, bs, Wh, bh)
    stb = st.astype(jnp.bfloat16)
    htb = ht.astype(jnp.bfloat16)
    w0 = W0.astype(jnp.bfloat16)
    w1 = W1.astype(jnp.bfloat16)
    w2 = W2.astype(jnp.bfloat16)

    x_sorted = _gather_x(features, ridx)
    y_sorted = _grouped_mm(block_expert, x_sorted, w0, b0, w1, b1, w2, b2,
                           stb, htb, mode3)
    out = _gather_out(y_sorted, slots)
    return out

# --- scband reference (transcript-rebuilt; emitter-appended) ---
"""Pipeline reference for scband-action-composer-1778116460850 (READ-ONLY COPY).

The authoritative reference and input builder live on the scoring server;
editing this copy changes nothing except your own understanding.
"""

import jax, jax.numpy as jnp
import numpy as np

B = 4096
PROTEIN_DIM = 2048
CHEMICAL_DIM = 1024
DNA_DIM = 512
LATENT_DIM = 2048
NUM_MODES = 64
MODE_DIM = 512


def setup_inputs(seed: int = 0) -> dict:
    key = jax.random.key(seed)
    ks = jax.random.split(key, 16)
    features = jax.random.normal(ks[0], (B, PROTEIN_DIM), dtype=jnp.float32)
    modality_ids = jax.random.randint(ks[1], (B,), 0, 3, dtype=jnp.int64 if jax.config.jax_enable_x64 else jnp.int32).astype(jnp.int32)
    mode_ids = jax.random.randint(ks[2], (B,), 0, NUM_MODES).astype(jnp.int32)
    def lin(kw, kb, out_d, in_d):
        s = 1.0 / np.sqrt(in_d)
        W = jax.random.uniform(kw, (out_d, in_d), minval=-s, maxval=s, dtype=jnp.float32)
        b = jax.random.uniform(kb, (out_d,), minval=-s, maxval=s, dtype=jnp.float32)
        return W, b
    W0, b0 = lin(ks[3], ks[4], LATENT_DIM, PROTEIN_DIM)
    W1, b1 = lin(ks[5], ks[6], LATENT_DIM, CHEMICAL_DIM)
    W2, b2 = lin(ks[7], ks[8], LATENT_DIM, DNA_DIM)
    mode_table = jax.random.normal(ks[9], (NUM_MODES, MODE_DIM), dtype=jnp.float32)
    Ws = jax.random.normal(ks[10], (LATENT_DIM, MODE_DIM), dtype=jnp.float32) * 0.02
    bs = jnp.zeros((LATENT_DIM,), dtype=jnp.float32)
    Wh = jax.random.normal(ks[11], (LATENT_DIM, MODE_DIM), dtype=jnp.float32) * 0.02
    bh = jnp.zeros((LATENT_DIM,), dtype=jnp.float32)
    return {"features": features, "modality_ids": modality_ids, "mode_ids": mode_ids,
            "W0": W0, "b0": b0, "W1": W1, "b1": b1, "W2": W2, "b2": b2,
            "mode_table": mode_table, "Ws": Ws, "bs": bs, "Wh": Wh, "bh": bh}


def reference(features, modality_ids, mode_ids, W0, b0, W1, b1, W2, b2, mode_table, Ws, bs, Wh, bh):
    # Per-modality expert projectors, applied to a prefix slice of the feature vector.
    p0 = features[:, :W0.shape[1]] @ W0.T + b0
    p1 = features[:, :W1.shape[1]] @ W1.T + b1
    p2 = features[:, :W2.shape[1]] @ W2.T + b2
    m0 = (modality_ids == 0)[:, None].astype(features.dtype)
    m1 = (modality_ids == 1)[:, None].astype(features.dtype)
    m2 = (modality_ids == 2)[:, None].astype(features.dtype)
    content_latents = m0 * p0 + m1 * p1 + m2 * p2
    # FiLM conditioning from mode embedding
    mode_vecs = jnp.take(mode_table, mode_ids, axis=0)
    scale = mode_vecs @ Ws.T + bs
    shift = mode_vecs @ Wh.T + bh
    action_vector = content_latents * (1.0 + scale) + shift
    return action_vector

if __name__ == "__main__":
    import jax
    _d = setup_inputs()
    print(jax.jit(kernel)(*tuple(_d.values())))

</pallas_src>

<mosaic_0001>
#map = affine_map<(d0, d1) -> (0, 0)>
#map1 = affine_map<(d0, d1) -> (0)>
module attributes {stable_mosaic.version = 14 : i64} {
  func.func @gather_k(%arg0: i32, %arg1: i32, %arg2: memref<4608x2048xf32, #tpu.memory_space<hbm>>, %arg3: memref<4096xi32, #tpu.memory_space<hbm>>, %arg4: memref<4096x2048xf32, #tpu.memory_space<hbm>>, %arg5: memref<128xi32, #tpu.memory_space<vmem>>, %arg6: memref<32x2048xf32, #tpu.memory_space<vmem>>, %arg7: memref<!tpu.dma_semaphore, #tpu.memory_space<semaphore_mem>>) attributes {dimension_semantics = [#tpu.dimension_semantics<core_parallel>, #tpu.dimension_semantics<subcore_parallel>], iteration_bounds = array<i64: 2, 16>, scalar_prefetch = 0 : i64, scratch_operands = 3 : i64, tpu.core_type = #tpu.core_type<sc_vector_subcore>, window_params = [{transform_indices = #map}, {transform_indices = #map1}, {transform_indices = #map}]} {
    %mul3A = arith.constant 2 : i32
    %mul3A_0 = arith.muli %arg1, %mul3A : i32
    %add3A = arith.addi %mul3A_0, %arg0 : i32
    %mul3A_1 = arith.constant 128 : i32
    %mul3A_2 = arith.muli %add3A, %mul3A_1 : i32
    "tpu.region"() ({
      %run_scoped3A = tpu.sem_alloc : memref<!tpu.dma_semaphore, #tpu.memory_space<semaphore_mem>>
      %dma_start3A_49 = tpu.memref_slice %arg3[%mul3A_2] : memref<4096xi32, #tpu.memory_space<hbm>> -> memref<128xi32, #tpu.memory_space<hbm>>
      %dma_start3A_50 = tpu.memref_slice %arg3[%mul3A_2] : memref<4096xi32, #tpu.memory_space<hbm>> -> memref<128xi32, #tpu.memory_space<hbm>>
      tpu.enqueue_dma source(%dma_start3A_50 : memref<128xi32, #tpu.memory_space<hbm>>) target(%arg5 : memref<128xi32, #tpu.memory_space<vmem>>) target_semaphore(%run_scoped3A : memref<!tpu.dma_semaphore, #tpu.memory_space<semaphore_mem>>)
      %dma_wait3A_51 = tpu.memref_slice %arg3[%mul3A_2] : memref<4096xi32, #tpu.memory_space<hbm>> -> memref<128xi32, #tpu.memory_space<hbm>>
      %dma_wait3A_52 = tpu.memref_slice %arg3[%mul3A_2] : memref<4096xi32, #tpu.memory_space<hbm>> -> memref<128xi32, #tpu.memory_space<hbm>>
      tpu.wait_dma2 semaphore(%run_scoped3A : memref<!tpu.dma_semaphore, #tpu.memory_space<semaphore_mem>>) src(%dma_wait3A_52 : memref<128xi32, #tpu.memory_space<hbm>>) dst(%arg5 : memref<128xi32, #tpu.memory_space<vmem>>)
      tpu.yield
    }) : () -> ()
    %dma_start3A = arith.constant 0 : i32
    %dma_start3A_3 = tpu.memref_slice %arg5[%dma_start3A] : memref<128xi32, #tpu.memory_space<vmem>> -> memref<32xi32, #tpu.memory_space<vmem>>
    %dma_start3A_4 = arith.constant 0 : i32
    %dma_start3A_5 = arith.constant 0 : i32
    %dma_start3A_6 = tpu.memref_slice %arg2[%dma_start3A_4, %dma_start3A_5] : memref<4608x2048xf32, #tpu.memory_space<hbm>> -> memref<4608x2048xf32, #tpu.memory_space<hbm>>
    tpu.enqueue_indirect_dma source(%dma_start3A_6 : memref<4608x2048xf32, #tpu.memory_space<hbm>>) target(%arg6 : memref<32x2048xf32, #tpu.memory_space<vmem>>) offsets(%dma_start3A_3 : memref<32xi32, #tpu.memory_space<vmem>>) semaphore(%arg7 : memref<!tpu.dma_semaphore, #tpu.memory_space<semaphore_mem>>)
    %dma_wait3A = arith.constant 0 : i32
    %dma_wait3A_7 = tpu.memref_slice %arg5[%dma_wait3A] : memref<128xi32, #tpu.memory_space<vmem>> -> memref<32xi32, #tpu.memory_space<vmem>>
    %dma_wait3A_8 = arith.constant 0 : i32
    %dma_wait3A_9 = arith.constant 0 : i32
    %dma_wait3A_10 = tpu.memref_slice %arg2[%dma_wait3A_8, %dma_wait3A_9] : memref<4608x2048xf32, #tpu.memory_space<hbm>> -> memref<4608x2048xf32, #tpu.memory_space<hbm>>
    tpu.wait_indirect_dma semaphore(%arg7 : memref<!tpu.dma_semaphore, #tpu.memory_space<semaphore_mem>>) src(%dma_wait3A_10 : memref<4608x2048xf32, #tpu.memory_space<hbm>>) dst(%arg6 : memref<32x2048xf32, #tpu.memory_space<vmem>>)
    %add3A_11 = arith.constant 0 : i32
    %add3A_12 = arith.addi %mul3A_2, %add3A_11 : i32
    "tpu.region"() ({
      %run_scoped3A = tpu.sem_alloc : memref<!tpu.dma_semaphore, #tpu.memory_space<semaphore_mem>>
      %dma_start3A_49 = arith.constant 0 : i32
      %dma_start3A_50 = tpu.memref_slice %arg4[%add3A_12, %dma_start3A_49] : memref<4096x2048xf32, #tpu.memory_space<hbm>> -> memref<32x2048xf32, #tpu.memory_space<hbm>>
      %dma_start3A_51 = arith.constant 0 : i32
      %dma_start3A_52 = tpu.memref_slice %arg4[%add3A_12, %dma_start3A_51] : memref<4096x2048xf32, #tpu.memory_space<hbm>> -> memref<32x2048xf32, #tpu.memory_space<hbm>>
      tpu.enqueue_dma source(%arg6 : memref<32x2048xf32, #tpu.memory_space<vmem>>) target(%dma_start3A_52 : memref<32x2048xf32, #tpu.memory_space<hbm>>) target_semaphore(%run_scoped3A : memref<!tpu.dma_semaphore, #tpu.memory_space<semaphore_mem>>)
      %dma_wait3A_53 = arith.constant 0 : i32
      %dma_wait3A_54 = tpu.memref_slice %arg4[%add3A_12, %dma_wait3A_53] : memref<4096x2048xf32, #tpu.memory_space<hbm>> -> memref<32x2048xf32, #tpu.memory_space<hbm>>
      %dma_wait3A_55 = arith.constant 0 : i32
      %dma_wait3A_56 = tpu.memref_slice %arg4[%add3A_12, %dma_wait3A_55] : memref<4096x2048xf32, #tpu.memory_space<hbm>> -> memref<32x2048xf32, #tpu.memory_space<hbm>>
      tpu.wait_dma2 semaphore(%run_scoped3A : memref<!tpu.dma_semaphore, #tpu.memory_space<semaphore_mem>>) src(%arg6 : memref<32x2048xf32, #tpu.memory_space<vmem>>) dst(%dma_wait3A_56 : memref<32x2048xf32, #tpu.memory_space<hbm>>)
      tpu.yield
    }) : () -> ()
    %dma_start3A_13 = arith.constant 32 : i32
    %dma_start3A_14 = tpu.memref_slice %arg5[%dma_start3A_13] : memref<128xi32, #tpu.memory_space<vmem>> -> memref<32xi32, #tpu.memory_space<vmem>>
    %dma_start3A_15 = arith.constant 0 : i32
    %dma_start3A_16 = arith.constant 0 : i32
    %dma_start3A_17 = tpu.memref_slice %arg2[%dma_start3A_15, %dma_start3A_16] : memref<4608x2048xf32, #tpu.memory_space<hbm>> -> memref<4608x2048xf32, #tpu.memory_space<hbm>>
    tpu.enqueue_indirect_dma source(%dma_start3A_17 : memref<4608x2048xf32, #tpu.memory_space<hbm>>) target(%arg6 : memref<32x2048xf32, #tpu.memory_space<vmem>>) offsets(%dma_start3A_14 : memref<32xi32, #tpu.memory_space<vmem>>) semaphore(%arg7 : memref<!tpu.dma_semaphore, #tpu.memory_space<semaphore_mem>>)
    %dma_wait3A_18 = arith.constant 32 : i32
    %dma_wait3A_19 = tpu.memref_slice %arg5[%dma_wait3A_18] : memref<128xi32, #tpu.memory_space<vmem>> -> memref<32xi32, #tpu.memory_space<vmem>>
    %dma_wait3A_20 = arith.constant 0 : i32
    %dma_wait3A_21 = arith.constant 0 : i32
    %dma_wait3A_22 = tpu.memref_slice %arg2[%dma_wait3A_20, %dma_wait3A_21] : memref<4608x2048xf32, #tpu.memory_space<hbm>> -> memref<4608x2048xf32, #tpu.memory_space<hbm>>
    tpu.wait_indirect_dma semaphore(%arg7 : memref<!tpu.dma_semaphore, #tpu.memory_space<semaphore_mem>>) src(%dma_wait3A_22 : memref<4608x2048xf32, #tpu.memory_space<hbm>>) dst(%arg6 : memref<32x2048xf32, #tpu.memory_space<vmem>>)
    %add3A_23 = arith.constant 32 : i32
    %add3A_24 = arith.addi %mul3A_2, %add3A_23 : i32
    "tpu.region"() ({
      %run_scoped3A = tpu.sem_alloc : memref<!tpu.dma_semaphore, #tpu.memory_space<semaphore_mem>>
      %dma_start3A_49 = arith.constant 0 : i32
      %dma_start3A_50 = tpu.memref_slice %arg4[%add3A_24, %dma_start3A_49] : memref<4096x2048xf32, #tpu.memory_space<hbm>> -> memref<32x2048xf32, #tpu.memory_space<hbm>>
      %dma_start3A_51 = arith.constant 0 : i32
      %dma_start3A_52 = tpu.memref_slice %arg4[%add3A_24, %dma_start3A_51] : memref<4096x2048xf32, #tpu.memory_space<hbm>> -> memref<32x2048xf32, #tpu.memory_space<hbm>>
      tpu.enqueue_dma source(%arg6 : memref<32x2048xf32, #tpu.memory_space<vmem>>) target(%dma_start3A_52 : memref<32x2048xf32, #tpu.memory_space<hbm>>) target_semaphore(%run_scoped3A : memref<!tpu.dma_semaphore, #tpu.memory_space<semaphore_mem>>)
      %dma_wait3A_53 = arith.constant 0 : i32
      %dma_wait3A_54 = tpu.memref_slice %arg4[%add3A_24, %dma_wait3A_53] : memref<4096x2048xf32, #tpu.memory_space<hbm>> -> memref<32x2048xf32, #tpu.memory_space<hbm>>
      %dma_wait3A_55 = arith.constant 0 : i32
      %dma_wait3A_56 = tpu.memref_slice %arg4[%add3A_24, %dma_wait3A_55] : memref<4096x2048xf32, #tpu.memory_space<hbm>> -> memref<32x2048xf32, #tpu.memory_space<hbm>>
      tpu.wait_dma2 semaphore(%run_scoped3A : memref<!tpu.dma_semaphore, #tpu.memory_space<semaphore_mem>>) src(%arg6 : memref<32x2048xf32, #tpu.memory_space<vmem>>) dst(%dma_wait3A_56 : memref<32x2048xf32, #tpu.memory_space<hbm>>)
      tpu.yield
    }) : () -> ()
    %dma_start3A_25 = arith.constant 64 : i32
    %dma_start3A_26 = tpu.memref_slice %arg5[%dma_start3A_25] : memref<128xi32, #tpu.memory_space<vmem>> -> memref<32xi32, #tpu.memory_space<vmem>>
    %dma_start3A_27 = arith.constant 0 : i32
    %dma_start3A_28 = arith.constant 0 : i32
    %dma_start3A_29 = tpu.memref_slice %arg2[%dma_start3A_27, %dma_start3A_28] : memref<4608x2048xf32, #tpu.memory_space<hbm>> -> memref<4608x2048xf32, #tpu.memory_space<hbm>>
    tpu.enqueue_indirect_dma source(%dma_start3A_29 : memref<4608x2048xf32, #tpu.memory_space<hbm>>) target(%arg6 : memref<32x2048xf32, #tpu.memory_space<vmem>>) offsets(%dma_start3A_26 : memref<32xi32, #tpu.memory_space<vmem>>) semaphore(%arg7 : memref<!tpu.dma_semaphore, #tpu.memory_space<semaphore_mem>>)
    %dma_wait3A_30 = arith.constant 64 : i32
    %dma_wait3A_31 = tpu.memref_slice %arg5[%dma_wait3A_30] : memref<128xi32, #tpu.memory_space<vmem>> -> memref<32xi32, #tpu.memory_space<vmem>>
    %dma_wait3A_32 = arith.constant 0 : i32
    %dma_wait3A_33 = arith.constant 0 : i32
    %dma_wait3A_34 = tpu.memref_slice %arg2[%dma_wait3A_32, %dma_wait3A_33] : memref<4608x2048xf32, #tpu.memory_space<hbm>> -> memref<4608x2048xf32, #tpu.memory_space<hbm>>
    tpu.wait_indirect_dma semaphore(%arg7 : memref<!tpu.dma_semaphore, #tpu.memory_space<semaphore_mem>>) src(%dma_wait3A_34 : memref<4608x2048xf32, #tpu.memory_space<hbm>>) dst(%arg6 : memref<32x2048xf32, #tpu.memory_space<vmem>>)
    %add3A_35 = arith.constant 64 : i32
    %add3A_36 = arith.addi %mul3A_2, %add3A_35 : i32
    "tpu.region"() ({
      %run_scoped3A = tpu.sem_alloc : memref<!tpu.dma_semaphore, #tpu.memory_space<semaphore_mem>>
      %dma_start3A_49 = arith.constant 0 : i32
      %dma_start3A_50 = tpu.memref_slice %arg4[%add3A_36, %dma_start3A_49] : memref<4096x2048xf32, #tpu.memory_space<hbm>> -> memref<32x2048xf32, #tpu.memory_space<hbm>>
      %dma_start3A_51 = arith.constant 0 : i32
      %dma_start3A_52 = tpu.memref_slice %arg4[%add3A_36, %dma_start3A_51] : memref<4096x2048xf32, #tpu.memory_space<hbm>> -> memref<32x2048xf32, #tpu.memory_space<hbm>>
      tpu.enqueue_dma source(%arg6 : memref<32x2048xf32, #tpu.memory_space<vmem>>) target(%dma_start3A_52 : memref<32x2048xf32, #tpu.memory_space<hbm>>) target_semaphore(%run_scoped3A : memref<!tpu.dma_semaphore, #tpu.memory_space<semaphore_mem>>)
      %dma_wait3A_53 = arith.constant 0 : i32
      %dma_wait3A_54 = tpu.memref_slice %arg4[%add3A_36, %dma_wait3A_53] : memref<4096x2048xf32, #tpu.memory_space<hbm>> -> memref<32x2048xf32, #tpu.memory_space<hbm>>
      %dma_wait3A_55 = arith.constant 0 : i32
      %dma_wait3A_56 = tpu.memref_slice %arg4[%add3A_36, %dma_wait3A_55] : memref<4096x2048xf32, #tpu.memory_space<hbm>> -> memref<32x2048xf32, #tpu.memory_space<hbm>>
      tpu.wait_dma2 semaphore(%run_scoped3A : memref<!tpu.dma_semaphore, #tpu.memory_space<semaphore_mem>>) src(%arg6 : memref<32x2048xf32, #tpu.memory_space<vmem>>) dst(%dma_wait3A_56 : memref<32x2048xf32, #tpu.memory_space<hbm>>)
      tpu.yield
    }) : () -> ()
    %dma_start3A_37 = arith.constant 96 : i32
    %dma_start3A_38 = tpu.memref_slice %arg5[%dma_start3A_37] : memref<128xi32, #tpu.memory_space<vmem>> -> memref<32xi32, #tpu.memory_space<vmem>>
    %dma_start3A_39 = arith.constant 0 : i32
    %dma_start3A_40 = arith.constant 0 : i32
    %dma_start3A_41 = tpu.memref_slice %arg2[%dma_start3A_39, %dma_start3A_40] : memref<4608x2048xf32, #tpu.memory_space<hbm>> -> memref<4608x2048xf32, #tpu.memory_space<hbm>>
    tpu.enqueue_indirect_dma source(%dma_start3A_41 : memref<4608x2048xf32, #tpu.memory_space<hbm>>) target(%arg6 : memref<32x2048xf32, #tpu.memory_space<vmem>>) offsets(%dma_start3A_38 : memref<32xi32, #tpu.memory_space<vmem>>) semaphore(%arg7 : memref<!tpu.dma_semaphore, #tpu.memory_space<semaphore_mem>>)
    %dma_wait3A_42 = arith.constant 96 : i32
    %dma_wait3A_43 = tpu.memref_slice %arg5[%dma_wait3A_42] : memref<128xi32, #tpu.memory_space<vmem>> -> memref<32xi32, #tpu.memory_space<vmem>>
    %dma_wait3A_44 = arith.constant 0 : i32
    %dma_wait3A_45 = arith.constant 0 : i32
    %dma_wait3A_46 = tpu.memref_slice %arg2[%dma_wait3A_44, %dma_wait3A_45] : memref<4608x2048xf32, #tpu.memory_space<hbm>> -> memref<4608x2048xf32, #tpu.memory_space<hbm>>
    tpu.wait_indirect_dma semaphore(%arg7 : memref<!tpu.dma_semaphore, #tpu.memory_space<semaphore_mem>>) src(%dma_wait3A_46 : memref<4608x2048xf32, #tpu.memory_space<hbm>>) dst(%arg6 : memref<32x2048xf32, #tpu.memory_space<vmem>>)
    %add3A_47 = arith.constant 96 : i32
    %add3A_48 = arith.addi %mul3A_2, %add3A_47 : i32
    "tpu.region"() ({
      %run_scoped3A = tpu.sem_alloc : memref<!tpu.dma_semaphore, #tpu.memory_space<semaphore_mem>>
      %dma_start3A_49 = arith.constant 0 : i32
      %dma_start3A_50 = tpu.memref_slice %arg4[%add3A_48, %dma_start3A_49] : memref<4096x2048xf32, #tpu.memory_space<hbm>> -> memref<32x2048xf32, #tpu.memory_space<hbm>>
      %dma_start3A_51 = arith.constant 0 : i32
      %dma_start3A_52 = tpu.memref_slice %arg4[%add3A_48, %dma_start3A_51] : memref<4096x2048xf32, #tpu.memory_space<hbm>> -> memref<32x2048xf32, #tpu.memory_space<hbm>>
      tpu.enqueue_dma source(%arg6 : memref<32x2048xf32, #tpu.memory_space<vmem>>) target(%dma_start3A_52 : memref<32x2048xf32, #tpu.memory_space<hbm>>) target_semaphore(%run_scoped3A : memref<!tpu.dma_semaphore, #tpu.memory_space<semaphore_mem>>)
      %dma_wait3A_53 = arith.constant 0 : i32
      %dma_wait3A_54 = tpu.memref_slice %arg4[%add3A_48, %dma_wait3A_53] : memref<4096x2048xf32, #tpu.memory_space<hbm>> -> memref<32x2048xf32, #tpu.memory_space<hbm>>
      %dma_wait3A_55 = arith.constant 0 : i32
      %dma_wait3A_56 = tpu.memref_slice %arg4[%add3A_48, %dma_wait3A_55] : memref<4096x2048xf32, #tpu.memory_space<hbm>> -> memref<32x2048xf32, #tpu.memory_space<hbm>>
      tpu.wait_dma2 semaphore(%run_scoped3A : memref<!tpu.dma_semaphore, #tpu.memory_space<semaphore_mem>>) src(%arg6 : memref<32x2048xf32, #tpu.memory_space<vmem>>) dst(%dma_wait3A_56 : memref<32x2048xf32, #tpu.memory_space<hbm>>)
      tpu.yield
    }) : () -> ()
    return
  }
}

#map = affine_map<(d0, d1) -> (0, 0)>
#map1 = affine_map<(d0, d1) -> (0)>
module attributes {stable_mosaic.version = 14 : i64} {
  func.func @gather_k(%arg0: i32, %arg1: i32, %arg2: memref<4096x2048xf32, #tpu.memory_space<hbm>>, %arg3: memref<4608xi32, #tpu.memory_space<hbm>>, %arg4: memref<4608x2048xf32, #tpu.memory_space<hbm>>, %arg5: memref<144xi32, #tpu.memory_space<vmem>>, %arg6: memref<48x2048xf32, #tpu.memory_space<vmem>>, %arg7: memref<!tpu.dma_semaphore, #tpu.memory_space<semaphore_mem>>) attributes {dimension_semantics = [#tpu.dimension_semantics<core_parallel>, #tpu.dimension_semantics<subcore_parallel>], iteration_bounds = array<i64: 2, 16>, scalar_prefetch = 0 : i64, scratch_operands = 3 : i64, tpu.core_type = #tpu.core_type<sc_vector_subcore>, window_params = [{transform_indices = #map}, {transform_indices = #map1}, {transform_indices = #map}]} {
    %mul3A = arith.constant 2 : i32
    %mul3A_0 = arith.muli %arg1, %mul3A : i32
    %add3A = arith.addi %mul3A_0, %arg0 : i32
    %mul3A_1 = arith.constant 144 : i32
    %mul3A_2 = arith.muli %add3A, %mul3A_1 : i32
    "tpu.region"() ({
      %run_scoped3A = tpu.sem_alloc : memref<!tpu.dma_semaphore, #tpu.memory_space<semaphore_mem>>
      %dma_start3A_37 = tpu.memref_slice %arg3[%mul3A_2] : memref<4608xi32, #tpu.memory_space<hbm>> -> memref<144xi32, #tpu.memory_space<hbm>>
      %dma_start3A_38 = tpu.memref_slice %arg3[%mul3A_2] : memref<4608xi32, #tpu.memory_space<hbm>> -> memref<144xi32, #tpu.memory_space<hbm>>
      tpu.enqueue_dma source(%dma_start3A_38 : memref<144xi32, #tpu.memory_space<hbm>>) target(%arg5 : memref<144xi32, #tpu.memory_space<vmem>>) target_semaphore(%run_scoped3A : memref<!tpu.dma_semaphore, #tpu.memory_space<semaphore_mem>>)
      %dma_wait3A_39 = tpu.memref_slice %arg3[%mul3A_2] : memref<4608xi32, #tpu.memory_space<hbm>> -> memref<144xi32, #tpu.memory_space<hbm>>
      %dma_wait3A_40 = tpu.memref_slice %arg3[%mul3A_2] : memref<4608xi32, #tpu.memory_space<hbm>> -> memref<144xi32, #tpu.memory_space<hbm>>
      tpu.wait_dma2 semaphore(%run_scoped3A : memref<!tpu.dma_semaphore, #tpu.memory_space<semaphore_mem>>) src(%dma_wait3A_40 : memref<144xi32, #tpu.memory_space<hbm>>) dst(%arg5 : memref<144xi32, #tpu.memory_space<vmem>>)
      tpu.yield
    }) : () -> ()
    %dma_start3A = arith.constant 0 : i32
    %dma_start3A_3 = tpu.memref_slice %arg5[%dma_start3A] : memref<144xi32, #tpu.memory_space<vmem>> -> memref<48xi32, #tpu.memory_space<vmem>>
    %dma_start3A_4 = arith.constant 0 : i32
    %dma_start3A_5 = arith.constant 0 : i32
    %dma_start3A_6 = tpu.memref_slice %arg2[%dma_start3A_4, %dma_start3A_5] : memref<4096x2048xf32, #tpu.memory_space<hbm>> -> memref<4096x2048xf32, #tpu.memory_space<hbm>>
    tpu.enqueue_indirect_dma source(%dma_start3A_6 : memref<4096x2048xf32, #tpu.memory_space<hbm>>) target(%arg6 : memref<48x2048xf32, #tpu.memory_space<vmem>>) offsets(%dma_start3A_3 : memref<48xi32, #tpu.memory_space<vmem>>) semaphore(%arg7 : memref<!tpu.dma_semaphore, #tpu.memory_space<semaphore_mem>>)
    %dma_wait3A = arith.constant 0 : i32
    %dma_wait3A_7 = tpu.memref_slice %arg5[%dma_wait3A] : memref<144xi32, #tpu.memory_space<vmem>> -> memref<48xi32, #tpu.memory_space<vmem>>
    %dma_wait3A_8 = arith.constant 0 : i32
    %dma_wait3A_9 = arith.constant 0 : i32
    %dma_wait3A_10 = tpu.memref_slice %arg2[%dma_wait3A_8, %dma_wait3A_9] : memref<4096x2048xf32, #tpu.memory_space<hbm>> -> memref<4096x2048xf32, #tpu.memory_space<hbm>>
    tpu.wait_indirect_dma semaphore(%arg7 : memref<!tpu.dma_semaphore, #tpu.memory_space<semaphore_mem>>) src(%dma_wait3A_10 : memref<4096x2048xf32, #tpu.memory_space<hbm>>) dst(%arg6 : memref<48x2048xf32, #tpu.memory_space<vmem>>)
    %add3A_11 = arith.constant 0 : i32
    %add3A_12 = arith.addi %mul3A_2, %add3A_11 : i32
    "tpu.region"() ({
      %run_scoped3A = tpu.sem_alloc : memref<!tpu.dma_semaphore, #tpu.memory_space<semaphore_mem>>
      %dma_start3A_37 = arith.constant 0 : i32
      %dma_start3A_38 = tpu.memref_slice %arg4[%add3A_12, %dma_start3A_37] : memref<4608x2048xf32, #tpu.memory_space<hbm>> -> memref<48x2048xf32, #tpu.memory_space<hbm>>
      %dma_start3A_39 = arith.constant 0 : i32
      %dma_start3A_40 = tpu.memref_slice %arg4[%add3A_12, %dma_start3A_39] : memref<4608x2048xf32, #tpu.memory_space<hbm>> -> memref<48x2048xf32, #tpu.memory_space<hbm>>
      tpu.enqueue_dma source(%arg6 : memref<48x2048xf32, #tpu.memory_space<vmem>>) target(%dma_start3A_40 : memref<48x2048xf32, #tpu.memory_space<hbm>>) target_semaphore(%run_scoped3A : memref<!tpu.dma_semaphore, #tpu.memory_space<semaphore_mem>>)
      %dma_wait3A_41 = arith.constant 0 : i32
      %dma_wait3A_42 = tpu.memref_slice %arg4[%add3A_12, %dma_wait3A_41] : memref<4608x2048xf32, #tpu.memory_space<hbm>> -> memref<48x2048xf32, #tpu.memory_space<hbm>>
      %dma_wait3A_43 = arith.constant 0 : i32
      %dma_wait3A_44 = tpu.memref_slice %arg4[%add3A_12, %dma_wait3A_43] : memref<4608x2048xf32, #tpu.memory_space<hbm>> -> memref<48x2048xf32, #tpu.memory_space<hbm>>
      tpu.wait_dma2 semaphore(%run_scoped3A : memref<!tpu.dma_semaphore, #tpu.memory_space<semaphore_mem>>) src(%arg6 : memref<48x2048xf32, #tpu.memory_space<vmem>>) dst(%dma_wait3A_44 : memref<48x2048xf32, #tpu.memory_space<hbm>>)
      tpu.yield
    }) : () -> ()
    %dma_start3A_13 = arith.constant 48 : i32
    %dma_start3A_14 = tpu.memref_slice %arg5[%dma_start3A_13] : memref<144xi32, #tpu.memory_space<vmem>> -> memref<48xi32, #tpu.memory_space<vmem>>
    %dma_start3A_15 = arith.constant 0 : i32
    %dma_start3A_16 = arith.constant 0 : i32
    %dma_start3A_17 = tpu.memref_slice %arg2[%dma_start3A_15, %dma_start3A_16] : memref<4096x2048xf32, #tpu.memory_space<hbm>> -> memref<4096x2048xf32, #tpu.memory_space<hbm>>
    tpu.enqueue_indirect_dma source(%dma_start3A_17 : memref<4096x2048xf32, #tpu.memory_space<hbm>>) target(%arg6 : memref<48x2048xf32, #tpu.memory_space<vmem>>) offsets(%dma_start3A_14 : memref<48xi32, #tpu.memory_space<vmem>>) semaphore(%arg7 : memref<!tpu.dma_semaphore, #tpu.memory_space<semaphore_mem>>)
    %dma_wait3A_18 = arith.constant 48 : i32
    %dma_wait3A_19 = tpu.memref_slice %arg5[%dma_wait3A_18] : memref<144xi32, #tpu.memory_space<vmem>> -> memref<48xi32, #tpu.memory_space<vmem>>
    %dma_wait3A_20 = arith.constant 0 : i32
    %dma_wait3A_21 = arith.constant 0 : i32
    %dma_wait3A_22 = tpu.memref_slice %arg2[%dma_wait3A_20, %dma_wait3A_21] : memref<4096x2048xf32, #tpu.memory_space<hbm>> -> memref<4096x2048xf32, #tpu.memory_space<hbm>>
    tpu.wait_indirect_dma semaphore(%arg7 : memref<!tpu.dma_semaphore, #tpu.memory_space<semaphore_mem>>) src(%dma_wait3A_22 : memref<4096x2048xf32, #tpu.memory_space<hbm>>) dst(%arg6 : memref<48x2048xf32, #tpu.memory_space<vmem>>)
    %add3A_23 = arith.constant 48 : i32
    %add3A_24 = arith.addi %mul3A_2, %add3A_23 : i32
    "tpu.region"() ({
      %run_scoped3A = tpu.sem_alloc : memref<!tpu.dma_semaphore, #tpu.memory_space<semaphore_mem>>
      %dma_start3A_37 = arith.constant 0 : i32
      %dma_start3A_38 = tpu.memref_slice %arg4[%add3A_24, %dma_start3A_37] : memref<4608x2048xf32, #tpu.memory_space<hbm>> -> memref<48x2048xf32, #tpu.memory_space<hbm>>
      %dma_start3A_39 = arith.constant 0 : i32
      %dma_start3A_40 = tpu.memref_slice %arg4[%add3A_24, %dma_start3A_39] : memref<4608x2048xf32, #tpu.memory_space<hbm>> -> memref<48x2048xf32, #tpu.memory_space<hbm>>
      tpu.enqueue_dma source(%arg6 : memref<48x2048xf32, #tpu.memory_space<vmem>>) target(%dma_start3A_40 : memref<48x2048xf32, #tpu.memory_space<hbm>>) target_semaphore(%run_scoped3A : memref<!tpu.dma_semaphore, #tpu.memory_space<semaphore_mem>>)
      %dma_wait3A_41 = arith.constant 0 : i32
      %dma_wait3A_42 = tpu.memref_slice %arg4[%add3A_24, %dma_wait3A_41] : memref<4608x2048xf32, #tpu.memory_space<hbm>> -> memref<48x2048xf32, #tpu.memory_space<hbm>>
      %dma_wait3A_43 = arith.constant 0 : i32
      %dma_wait3A_44 = tpu.memref_slice %arg4[%add3A_24, %dma_wait3A_43] : memref<4608x2048xf32, #tpu.memory_space<hbm>> -> memref<48x2048xf32, #tpu.memory_space<hbm>>
      tpu.wait_dma2 semaphore(%run_scoped3A : memref<!tpu.dma_semaphore, #tpu.memory_space<semaphore_mem>>) src(%arg6 : memref<48x2048xf32, #tpu.memory_space<vmem>>) dst(%dma_wait3A_44 : memref<48x2048xf32, #tpu.memory_space<hbm>>)
      tpu.yield
    }) : () -> ()
    %dma_start3A_25 = arith.constant 96 : i32
    %dma_start3A_26 = tpu.memref_slice %arg5[%dma_start3A_25] : memref<144xi32, #tpu.memory_space<vmem>> -> memref<48xi32, #tpu.memory_space<vmem>>
    %dma_start3A_27 = arith.constant 0 : i32
    %dma_start3A_28 = arith.constant 0 : i32
    %dma_start3A_29 = tpu.memref_slice %arg2[%dma_start3A_27, %dma_start3A_28] : memref<4096x2048xf32, #tpu.memory_space<hbm>> -> memref<4096x2048xf32, #tpu.memory_space<hbm>>
    tpu.enqueue_indirect_dma source(%dma_start3A_29 : memref<4096x2048xf32, #tpu.memory_space<hbm>>) target(%arg6 : memref<48x2048xf32, #tpu.memory_space<vmem>>) offsets(%dma_start3A_26 : memref<48xi32, #tpu.memory_space<vmem>>) semaphore(%arg7 : memref<!tpu.dma_semaphore, #tpu.memory_space<semaphore_mem>>)
    %dma_wait3A_30 = arith.constant 96 : i32
    %dma_wait3A_31 = tpu.memref_slice %arg5[%dma_wait3A_30] : memref<144xi32, #tpu.memory_space<vmem>> -> memref<48xi32, #tpu.memory_space<vmem>>
    %dma_wait3A_32 = arith.constant 0 : i32
    %dma_wait3A_33 = arith.constant 0 : i32
    %dma_wait3A_34 = tpu.memref_slice %arg2[%dma_wait3A_32, %dma_wait3A_33] : memref<4096x2048xf32, #tpu.memory_space<hbm>> -> memref<4096x2048xf32, #tpu.memory_space<hbm>>
    tpu.wait_indirect_dma semaphore(%arg7 : memref<!tpu.dma_semaphore, #tpu.memory_space<semaphore_mem>>) src(%dma_wait3A_34 : memref<4096x2048xf32, #tpu.memory_space<hbm>>) dst(%arg6 : memref<48x2048xf32, #tpu.memory_space<vmem>>)
    %add3A_35 = arith.constant 96 : i32
    %add3A_36 = arith.addi %mul3A_2, %add3A_35 : i32
    "tpu.region"() ({
      %run_scoped3A = tpu.sem_alloc : memref<!tpu.dma_semaphore, #tpu.memory_space<semaphore_mem>>
      %dma_start3A_37 = arith.constant 0 : i32
      %dma_start3A_38 = tpu.memref_slice %arg4[%add3A_36, %dma_start3A_37] : memref<4608x2048xf32, #tpu.memory_space<hbm>> -> memref<48x2048xf32, #tpu.memory_space<hbm>>
      %dma_start3A_39 = arith.constant 0 : i32
      %dma_start3A_40 = tpu.memref_slice %arg4[%add3A_36, %dma_start3A_39] : memref<4608x2048xf32, #tpu.memory_space<hbm>> -> memref<48x2048xf32, #tpu.memory_space<hbm>>
      tpu.enqueue_dma source(%arg6 : memref<48x2048xf32, #tpu.memory_space<vmem>>) target(%dma_start3A_40 : memref<48x2048xf32, #tpu.memory_space<hbm>>) target_semaphore(%run_scoped3A : memref<!tpu.dma_semaphore, #tpu.memory_space<semaphore_mem>>)
      %dma_wait3A_41 = arith.constant 0 : i32
      %dma_wait3A_42 = tpu.memref_slice %arg4[%add3A_36, %dma_wait3A_41] : memref<4608x2048xf32, #tpu.memory_space<hbm>> -> memref<48x2048xf32, #tpu.memory_space<hbm>>
      %dma_wait3A_43 = arith.constant 0 : i32
      %dma_wait3A_44 = tpu.memref_slice %arg4[%add3A_36, %dma_wait3A_43] : memref<4608x2048xf32, #tpu.memory_space<hbm>> -> memref<48x2048xf32, #tpu.memory_space<hbm>>
      tpu.wait_dma2 semaphore(%run_scoped3A : memref<!tpu.dma_semaphore, #tpu.memory_space<semaphore_mem>>) src(%arg6 : memref<48x2048xf32, #tpu.memory_space<vmem>>) dst(%dma_wait3A_44 : memref<48x2048xf32, #tpu.memory_space<hbm>>)
      tpu.yield
    }) : () -> ()
    return
  }
}

module attributes {stable_mosaic.version = 14 : i64} {
  func.func @_tables_body(%arg0: memref<64x512xf32, #tpu.memory_space<vmem>>, %arg1: memref<2048x512xf32, #tpu.memory_space<vmem>>, %arg2: memref<1x2048xf32, #tpu.memory_space<vmem>>, %arg3: memref<2048x512xf32, #tpu.memory_space<vmem>>, %arg4: memref<1x2048xf32, #tpu.memory_space<vmem>>, %arg5: memref<64x2048xf32, #tpu.memory_space<vmem>>, %arg6: memref<64x2048xf32, #tpu.memory_space<vmem>>) attributes {dimension_semantics = [], scalar_prefetch = 0 : i64, scratch_operands = 0 : i64, tpu.core_type = #tpu.core_type<tc>} {
    %get3A = arith.constant 0 : index
    %get3A_0 = arith.constant 0 : index
    %get3A_1 = vector.load %arg0[%get3A, %get3A_0] : memref<64x512xf32, #tpu.memory_space<vmem>>, vector<64x512xf32>
    %get3A_2 = arith.constant 0 : index
    %get3A_3 = arith.constant 0 : index
    %get3A_4 = vector.load %arg1[%get3A_2, %get3A_3] : memref<2048x512xf32, #tpu.memory_space<vmem>>, vector<2048x512xf32>
    %dot_general3A = arith.constant dense<0.000000e+00> : vector<64x2048xf32>
    %dot_general3A_5 = tpu.matmul %get3A_1, %get3A_4, %dot_general3A {dimension_numbers = #tpu.dot_dimension_numbers<[1], [1], [0], [0], [0, 0, 1, 0], [], []>, transpose_lhs_hint = false} : vector<64x512xf32>, vector<2048x512xf32>, vector<64x2048xf32> -> vector<64x2048xf32>
    %get3A_6 = arith.constant 0 : index
    %get3A_7 = arith.constant 0 : index
    %get3A_8 = vector.load %arg2[%get3A_6, %get3A_7] : memref<1x2048xf32, #tpu.memory_space<vmem>>, vector<1x2048xf32>
    %add3A = vector.broadcast %get3A_8 : vector<1x2048xf32> to vector<64x2048xf32>
    %add3A_9 = arith.addf %dot_general3A_5, %add3A : vector<64x2048xf32>
    %swap3A = arith.constant 0 : index
    %swap3A_10 = arith.constant 0 : index
    %swap3A_11 = vector.load %arg5[%swap3A, %swap3A_10] : memref<64x2048xf32, #tpu.memory_space<vmem>>, vector<64x2048xf32>
    tpu.vector_store %arg5[%swap3A, %swap3A_10], %add3A_9 {strides = array<i32>} : memref<64x2048xf32, #tpu.memory_space<vmem>>, vector<64x2048xf32>,
    %get3A_12 = arith.constant 0 : index
    %get3A_13 = arith.constant 0 : index
    %get3A_14 = vector.load %arg3[%get3A_12, %get3A_13] : memref<2048x512xf32, #tpu.memory_space<vmem>>, vector<2048x512xf32>
    %dot_general3A_15 = arith.constant dense<0.000000e+00> : vector<64x2048xf32>
    %dot_general3A_16 = tpu.matmul %get3A_1, %get3A_14, %dot_general3A_15 {dimension_numbers = #tpu.dot_dimension_numbers<[1], [1], [0], [0], [0, 0, 1, 0], [], []>, transpose_lhs_hint = false} : vector<64x512xf32>, vector<2048x512xf32>, vector<64x2048xf32> -> vector<64x2048xf32>
    %get3A_17 = arith.constant 0 : index
    %get3A_18 = arith.constant 0 : index
    %get3A_19 = vector.load %arg4[%get3A_17, %get3A_18] : memref<1x2048xf32, #tpu.memory_space<vmem>>, vector<1x2048xf32>
    %add3A_20 = vector.broadcast %get3A_19 : vector<1x2048xf32> to vector<64x2048xf32>
    %add3A_21 = arith.addf %dot_general3A_16, %add3A_20 : vector<64x2048xf32>
    %swap3A_22 = arith.constant 0 : index
    %swap3A_23 = arith.constant 0 : index
    %swap3A_24 = vector.load %arg6[%swap3A_22, %swap3A_23] : memref<64x2048xf32, #tpu.memory_space<vmem>>, vector<64x2048xf32>
    tpu.vector_store %arg6[%swap3A_22, %swap3A_23], %add3A_21 {strides = array<i32>} : memref<64x2048xf32, #tpu.memory_space<vmem>>, vector<64x2048xf32>,
    return
  }
}

module attributes {stable_mosaic.version = 14 : i64} {
  func.func @_mm_body(%arg0: i32, %arg1: i32, %arg2: memref<18xi32, #tpu.memory_space<smem>>, %arg3: memref<256x2048xf32, #tpu.memory_space<vmem>>, %arg4: memref<2048x2048xbf16, #tpu.memory_space<vmem>>, %arg5: memref<1x2048xf32, #tpu.memory_space<vmem>>, %arg6: memref<2048x1024xbf16, #tpu.memory_space<vmem>>, %arg7: memref<1x2048xf32, #tpu.memory_space<vmem>>, %arg8: memref<2048x512xbf16, #tpu.memory_space<vmem>>, %arg9: memref<1x2048xf32, #tpu.memory_space<vmem>>, %arg10: memref<64x2048xbf16, #tpu.memory_space<vmem>>, %arg11: memref<64x2048xbf16, #tpu.memory_space<vmem>>, %arg12: memref<1x1x256xi32, #tpu.memory_space<vmem>>, %arg13: memref<256x512xf32, #tpu.memory_space<vmem>>) attributes {dimension_semantics = [#tpu.dimension_semantics<arbitrary>, #tpu.dimension_semantics<arbitrary>], iteration_bounds = array<i64: 18, 4>, scalar_prefetch = 1 : i64, scratch_operands = 0 : i64, tpu.core_type = #tpu.core_type<tc>, window_params = [{transform_indices = @transform_0, window_bounds = array<i64: 256, 2048>}, {pipeline_mode = #tpu.pipeline_mode<synchronous>, transform_indices = @transform_1, window_bounds = array<i64: 2048, 2048>}, {pipeline_mode = #tpu.pipeline_mode<synchronous>, transform_indices = @transform_2, window_bounds = array<i64: 1, 2048>}, {pipeline_mode = #tpu.pipeline_mode<synchronous>, transform_indices = @transform_3, window_bounds = array<i64: 2048, 1024>}, {pipeline_mode = #tpu.pipeline_mode<synchronous>, transform_indices = @transform_4, window_bounds = array<i64: 1, 2048>}, {pipeline_mode = #tpu.pipeline_mode<synchronous>, transform_indices = @transform_5, window_bounds = array<i64: 2048, 512>}, {pipeline_mode = #tpu.pipeline_mode<synchronous>, transform_indices = @transform_6, window_bounds = array<i64: 1, 2048>}, {pipeline_mode = #tpu.pipeline_mode<synchronous>, transform_indices = @transform_7, window_bounds = array<i64: 64, 2048>}, {pipeline_mode = #tpu.pipeline_mode<synchronous>, transform_indices = @transform_8, window_bounds = array<i64: 64, 2048>}, {transform_indices = @transform_9, window_bounds = array<i64: 1, 1, 256>}, {transform_indices = @transform_10, window_bounds = array<i64: 256, 512>}]} {
    %get3A = arith.index_cast %arg0 : i32 to index
    %get3A_0 = memref.load %arg2[%get3A] : memref<18xi32, #tpu.memory_space<smem>>
    %mul3A = arith.constant 512 : i32
    %mul3A_1 = arith.muli %arg1, %mul3A : i32
    %get3A_2 = arith.constant 0 : index
    %get3A_3 = arith.constant 0 : index
    %get3A_4 = vector.load %arg3[%get3A_2, %get3A_3] : memref<256x2048xf32, #tpu.memory_space<vmem>>, vector<256x2048xf32>
    %convert_element_type3A = arith.truncf %get3A_4 : vector<256x2048xf32> to vector<256x2048xbf16>
    %get3A_5 = arith.constant 0 : index
    %get3A_6 = arith.constant 0 : index
    %get3A_7 = arith.constant 0 : index
    %get3A_8 = vector.load %arg12[%get3A_5, %get3A_6, %get3A_7] : memref<1x1x256xi32, #tpu.memory_space<vmem>>, vector<1x1x256xi32>
    %get3A_9 = vector.shape_cast %get3A_8 : vector<1x1x256xi32> to vector<256xi32>
    %iota3A = tpu.iota {dimensions = array<i32: 1>} : vector<256x64xi32>
    %broadcast_in_dim3A = vector.shape_cast %get3A_9 : vector<256xi32> to vector<256x1xi32>
    %eq3A = vector.broadcast %broadcast_in_dim3A : vector<256x1xi32> to vector<256x64xi32>
    %eq3A_10 = arith.cmpi eq, %eq3A, %iota3A : vector<256x64xi32>
    %convert_element_type3A_11 = arith.extui %eq3A_10 : vector<256x64xi1> to vector<256x64xi32>
    %convert_element_type3A_12 = arith.sitofp %convert_element_type3A_11 : vector<256x64xi32> to vector<256x64xf32>
    %convert_element_type3A_13 = arith.truncf %convert_element_type3A_12 : vector<256x64xf32> to vector<256x64xbf16>
    %get3A_14 = arith.constant 0 : index
    %get3A_15 = arith.index_cast %mul3A_1 : i32 to index
    %get3A_16 = vector.load %arg10[%get3A_14, %get3A_15] : memref<64x2048xbf16, #tpu.memory_space<vmem>>, vector<64x512xbf16>
    %dot_general3A = arith.constant dense<0.000000e+00> : vector<256x512xf32>
    %dot_general3A_17 = tpu.matmul %convert_element_type3A_13, %get3A_16, %dot_general3A {dimension_numbers = #tpu.dot_dimension_numbers<[1], [0], [0], [1], [0, 0, 1, 1], [], []>, transpose_lhs_hint = false} : vector<256x64xbf16>, vector<64x512xbf16>, vector<256x512xf32> -> vector<256x512xf32>
    %get3A_18 = arith.constant 0 : index
    %get3A_19 = arith.index_cast %mul3A_1 : i32 to index
    %get3A_20 = vector.load %arg11[%get3A_18, %get3A_19] : memref<64x2048xbf16, #tpu.memory_space<vmem>>, vector<64x512xbf16>
    %dot_general3A_21 = arith.constant dense<0.000000e+00> : vector<256x512xf32>
    %dot_general3A_22 = tpu.matmul %convert_element_type3A_13, %get3A_20, %dot_general3A_21 {dimension_numbers = #tpu.dot_dimension_numbers<[1], [0], [0], [1], [0, 0, 1, 1], [], []>, transpose_lhs_hint = false} : vector<256x64xbf16>, vector<64x512xbf16>, vector<256x512xf32> -> vector<256x512xf32>
    %eq3A_23 = arith.constant 0 : i32
    %eq3A_24 = arith.cmpi eq, %get3A_0, %eq3A_23 : i32
    %convert_element_type3A_25 = arith.extui %eq3A_24 : i1 to i32
    %cond3A = arith.constant 0 : i32
    %cond3A_26 = arith.cmpi ne, %convert_element_type3A_25, %cond3A : i32
    scf.if %cond3A_26 {
      %get3A_37 = arith.index_cast %mul3A_1 : i32 to index
      %get3A_38 = arith.constant 0 : index
      %get3A_39 = vector.load %arg4[%get3A_37, %get3A_38] : memref<2048x2048xbf16, #tpu.memory_space<vmem>>, vector<512x2048xbf16>
      %dot_general3A_40 = arith.constant dense<0.000000e+00> : vector<256x512xf32>
      %dot_general3A_41 = tpu.matmul %convert_element_type3A, %get3A_39, %dot_general3A_40 {dimension_numbers = #tpu.dot_dimension_numbers<[1], [1], [0], [0], [0, 0, 1, 0], [], []>, transpose_lhs_hint = false} : vector<256x2048xbf16>, vector<512x2048xbf16>, vector<256x512xf32> -> vector<256x512xf32>
      %get3A_42 = arith.constant 0 : index
      %get3A_43 = arith.index_cast %mul3A_1 : i32 to index
      %get3A_44 = vector.load %arg5[%get3A_42, %get3A_43] : memref<1x2048xf32, #tpu.memory_space<vmem>>, vector<1x512xf32>
      %add3A = vector.broadcast %get3A_44 : vector<1x512xf32> to vector<256x512xf32>
      %add3A_45 = arith.addf %dot_general3A_41, %add3A : vector<256x512xf32>
      %add3A_46 = arith.constant 1.000000e+00 : f32
      %add3A_47 = vector.broadcast %add3A_46 : f32 to vector<256x512xf32>
      %add3A_48 = arith.addf %add3A_47, %dot_general3A_17 : vector<256x512xf32>
      %mul3A_49 = arith.mulf %add3A_45, %add3A_48 : vector<256x512xf32>
      %add3A_50 = arith.addf %mul3A_49, %dot_general3A_22 : vector<256x512xf32>
      %swap3A = arith.constant 0 : index
      %swap3A_51 = arith.constant 0 : index
      %swap3A_52 = vector.load %arg13[%swap3A, %swap3A_51] : memref<256x512xf32, #tpu.memory_space<vmem>>, vector<256x512xf32>
      tpu.vector_store %arg13[%swap3A, %swap3A_51], %add3A_50 {strides = array<i32>} : memref<256x512xf32, #tpu.memory_space<vmem>>, vector<256x512xf32>,
    } else {
    }
    %eq3A_27 = arith.constant 1 : i32
    %eq3A_28 = arith.cmpi eq, %get3A_0, %eq3A_27 : i32
    %convert_element_type3A_29 = arith.extui %eq3A_28 : i1 to i32
    %cond3A_30 = arith.constant 0 : i32
    %cond3A_31 = arith.cmpi ne, %convert_element_type3A_29, %cond3A_30 : i32
    scf.if %cond3A_31 {
      %slice3A = vector.extract_strided_slice %convert_element_type3A {offsets = [0, 0], sizes = [256, 1024], strides = [1, 1]} : vector<256x2048xbf16> to vector<256x1024xbf16>
      %get3A_37 = arith.index_cast %mul3A_1 : i32 to index
      %get3A_38 = arith.constant 0 : index
      %get3A_39 = vector.load %arg6[%get3A_37, %get3A_38] : memref<2048x1024xbf16, #tpu.memory_space<vmem>>, vector<512x1024xbf16>
      %dot_general3A_40 = arith.constant dense<0.000000e+00> : vector<256x512xf32>
      %dot_general3A_41 = tpu.matmul %slice3A, %get3A_39, %dot_general3A_40 {dimension_numbers = #tpu.dot_dimension_numbers<[1], [1], [0], [0], [0, 0, 1, 0], [], []>, transpose_lhs_hint = false} : vector<256x1024xbf16>, vector<512x1024xbf16>, vector<256x512xf32> -> vector<256x512xf32>
      %get3A_42 = arith.constant 0 : index
      %get3A_43 = arith.index_cast %mul3A_1 : i32 to index
      %get3A_44 = vector.load %arg7[%get3A_42, %get3A_43] : memref<1x2048xf32, #tpu.memory_space<vmem>>, vector<1x512xf32>
      %add3A = vector.broadcast %get3A_44 : vector<1x512xf32> to vector<256x512xf32>
      %add3A_45 = arith.addf %dot_general3A_41, %add3A : vector<256x512xf32>
      %add3A_46 = arith.constant 1.000000e+00 : f32
      %add3A_47 = vector.broadcast %add3A_46 : f32 to vector<256x512xf32>
      %add3A_48 = arith.addf %add3A_47, %dot_general3A_17 : vector<256x512xf32>
      %mul3A_49 = arith.mulf %add3A_45, %add3A_48 : vector<256x512xf32>
      %add3A_50 = arith.addf %mul3A_49, %dot_general3A_22 : vector<256x512xf32>
      %swap3A = arith.constant 0 : index
      %swap3A_51 = arith.constant 0 : index
      %swap3A_52 = vector.load %arg13[%swap3A, %swap3A_51] : memref<256x512xf32, #tpu.memory_space<vmem>>, vector<256x512xf32>
      tpu.vector_store %arg13[%swap3A, %swap3A_51], %add3A_50 {strides = array<i32>} : memref<256x512xf32, #tpu.memory_space<vmem>>, vector<256x512xf32>,
    } else {
    }
    %eq3A_32 = arith.constant 2 : i32
    %eq3A_33 = arith.cmpi eq, %get3A_0, %eq3A_32 : i32
    %convert_element_type3A_34 = arith.extui %eq3A_33 : i1 to i32
    %cond3A_35 = arith.constant 0 : i32
    %cond3A_36 = arith.cmpi ne, %convert_element_type3A_34, %cond3A_35 : i32
    scf.if %cond3A_36 {
      %slice3A = vector.extract_strided_slice %convert_element_type3A {offsets = [0, 0], sizes = [256, 512], strides = [1, 1]} : vector<256x2048xbf16> to vector<256x512xbf16>
      %get3A_37 = arith.index_cast %mul3A_1 : i32 to index
      %get3A_38 = arith.constant 0 : index
      %get3A_39 = vector.load %arg8[%get3A_37, %get3A_38] : memref<2048x512xbf16, #tpu.memory_space<vmem>>, vector<512x512xbf16>
      %dot_general3A_40 = arith.constant dense<0.000000e+00> : vector<256x512xf32>
      %dot_general3A_41 = tpu.matmul %slice3A, %get3A_39, %dot_general3A_40 {dimension_numbers = #tpu.dot_dimension_numbers<[1], [1], [0], [0], [0, 0, 1, 0], [], []>, transpose_lhs_hint = false} : vector<256x512xbf16>, vector<512x512xbf16>, vector<256x512xf32> -> vector<256x512xf32>
      %get3A_42 = arith.constant 0 : index
      %get3A_43 = arith.index_cast %mul3A_1 : i32 to index
      %get3A_44 = vector.load %arg9[%get3A_42, %get3A_43] : memref<1x2048xf32, #tpu.memory_space<vmem>>, vector<1x512xf32>
      %add3A = vector.broadcast %get3A_44 : vector<1x512xf32> to vector<256x512xf32>
      %add3A_45 = arith.addf %dot_general3A_41, %add3A : vector<256x512xf32>
      %add3A_46 = arith.constant 1.000000e+00 : f32
      %add3A_47 = vector.broadcast %add3A_46 : f32 to vector<256x512xf32>
      %add3A_48 = arith.addf %add3A_47, %dot_general3A_17 : vector<256x512xf32>
      %mul3A_49 = arith.mulf %add3A_45, %add3A_48 : vector<256x512xf32>
      %add3A_50 = arith.addf %mul3A_49, %dot_general3A_22 : vector<256x512xf32>
      %swap3A = arith.constant 0 : index
      %swap3A_51 = arith.constant 0 : index
      %swap3A_52 = vector.load %arg13[%swap3A, %swap3A_51] : memref<256x512xf32, #tpu.memory_space<vmem>>, vector<256x512xf32>
      tpu.vector_store %arg13[%swap3A, %swap3A_51], %add3A_50 {strides = array<i32>} : memref<256x512xf32, #tpu.memory_space<vmem>>, vector<256x512xf32>,
    } else {
    }
    return
  }
  func.func @transform_0(%arg0: i32, %arg1: i32, %arg2: memref<18xi32, #tpu.memory_space<smem>>) -> (i32, i32) {
    %c0_i32 = arith.constant 0 : i32
    %c0_i32_0 = arith.constant 0 : i32
    return %arg0, %c0_i32 : i32, i32
  }
  func.func @transform_1(%arg0: i32, %arg1: i32, %arg2: memref<18xi32, #tpu.memory_space<smem>>) -> (i32, i32) {
    %c0_i32 = arith.constant 0 : i32
    %c0_i32_0 = arith.constant 0 : i32
    %c0_i32_1 = arith.constant 0 : i32
    return %c0_i32, %c0_i32_0 : i32, i32
  }
  func.func @transform_2(%arg0: i32, %arg1: i32, %arg2: memref<18xi32, #tpu.memory_space<smem>>) -> (i32, i32) {
    %c0_i32 = arith.constant 0 : i32
    %c0_i32_0 = arith.constant 0 : i32
    %c0_i32_1 = arith.constant 0 : i32
    return %c0_i32, %c0_i32_0 : i32, i32
  }
  func.func @transform_3(%arg0: i32, %arg1: i32, %arg2: memref<18xi32, #tpu.memory_space<smem>>) -> (i32, i32) {
    %c0_i32 = arith.constant 0 : i32
    %c0_i32_0 = arith.constant 0 : i32
    %c0_i32_1 = arith.constant 0 : i32
    return %c0_i32, %c0_i32_0 : i32, i32
  }
  func.func @transform_4(%arg0: i32, %arg1: i32, %arg2: memref<18xi32, #tpu.memory_space<smem>>) -> (i32, i32) {
    %c0_i32 = arith.constant 0 : i32
    %c0_i32_0 = arith.constant 0 : i32
    %c0_i32_1 = arith.constant 0 : i32
    return %c0_i32, %c0_i32_0 : i32, i32
  }
  func.func @transform_5(%arg0: i32, %arg1: i32, %arg2: memref<18xi32, #tpu.memory_space<smem>>) -> (i32, i32) {
    %c0_i32 = arith.constant 0 : i32
    %c0_i32_0 = arith.constant 0 : i32
    %c0_i32_1 = arith.constant 0 : i32
    return %c0_i32, %c0_i32_0 : i32, i32
  }
  func.func @transform_6(%arg0: i32, %arg1: i32, %arg2: memref<18xi32, #tpu.memory_space<smem>>) -> (i32, i32) {
    %c0_i32 = arith.constant 0 : i32
    %c0_i32_0 = arith.constant 0 : i32
    %c0_i32_1 = arith.constant 0 : i32
    return %c0_i32, %c0_i32_0 : i32, i32
  }
  func.func @transform_7(%arg0: i32, %arg1: i32, %arg2: memref<18xi32, #tpu.memory_space<smem>>) -> (i32, i32) {
    %c0_i32 = arith.constant 0 : i32
    %c0_i32_0 = arith.constant 0 : i32
    %c0_i32_1 = arith.constant 0 : i32
    return %c0_i32, %c0_i32_0 : i32, i32
  }
  func.func @transform_8(%arg0: i32, %arg1: i32, %arg2: memref<18xi32, #tpu.memory_space<smem>>) -> (i32, i32) {
    %c0_i32 = arith.constant 0 : i32
    %c0_i32_0 = arith.constant 0 : i32
    %c0_i32_1 = arith.constant 0 : i32
    return %c0_i32, %c0_i32_0 : i32, i32
  }
  func.func @transform_9(%arg0: i32, %arg1: i32, %arg2: memref<18xi32, #tpu.memory_space<smem>>) -> (i32, i32, i32) {
    %c0_i32 = arith.constant 0 : i32
    %c0_i32_0 = arith.constant 0 : i32
    %c0_i32_1 = arith.constant 0 : i32
    return %arg0, %c0_i32, %c0_i32_0 : i32, i32, i32
  }
  func.func @transform_10(%arg0: i32, %arg1: i32, %arg2: memref<18xi32, #tpu.memory_space<smem>>) -> (i32, i32) {
    %c0_i32 = arith.constant 0 : i32
    return %arg0, %arg1 : i32, i32
  }
}

</mosaic_0001>

<sc_bundles>
// kernel: gather_offload_async_start.1
scs
__scs_entry_jumppad:
0x0: {  	(pc) =	sbr.rel $0x88, $3  }
0x1: {  	(tag) =	ssettag $0x0;
	lr =	simm.s32 $0x1  }
0x2: {  	[smem:$0x3F93] =	sst lr;
	_ =	strace $0xD0000000  }
0x3: {  	_ = 	snop  }
0x4: {  	_ = 	snop  }
0x5: {  	_ = 	snop  }
0x6: {  	_ = 	snop  }
0x7: {  	_ = 	snop  }
__scs_overlays_trampoline_lowered:
0x8: {  	[smem:$0x3FA2] =	sst s0  }
0x9: {  	[smem:$0x3FA3] =	sst s1  }
0xa: {  	[smem:$0x3FA4] =	sst s2  }
0xb: {  	[smem:$0x3FA5] =	sst s3  }
0xc: {  	[smem:$0x3FA6] =	sst s4  }
0xd: {  	[smem:$0x3FA7] =	sst s5  }
0xe: {  	[smem:$0x3FA8] =	sst s6  }
0xf: {  	[smem:$0x3FA9] =	sst s7  }
0x10: {  	[smem:$0x3FAA] =	sst s8  }
0x11: {  	[smem:$0x3FAB] =	sst s9;
	s0 =	simm.s32 @!p0 $0x0  }
0x12: {  	s1 =	sld [smem:$0x3F91];
	s0 =	simm.s32 @p0 $0x1  }
0x13: {  	[smem:$0x3FAC] =	sst s0;
	s0 =	simm.s32 @!p1 $0x0  }
0x14: {  	s2 =	sld [smem:$0x3F90];
	s0 =	simm.s32 @p1 $0x1  }
0x15: {  	[smem:$0x3FAD] =	sst s0;
	s0 =	simm.s32 @!p2 $0x0  }
0x16: {  	s3 =	sld [smem:$0x3FDB];
	s0 =	simm.s32 @p2 $0x1  }
0x17: {  	s4 =	simm.s32 $0x1BF5;
	[smem:$0x3FAF] =	sst s0  }
0x18: {  	s0 =	sld [smem:$0x3F92];
	_ =	swait.ge [sflag:s4], $0x0  }
0x19: {  	s7 =	sld [smem:$0x3F93]  }
0x1a: {  	s8 =	sadd.s32 $0xFFFFE003, lr  }
0x1b: {  	s9 =	sadd.s32 $0xFFFFFEF7, lr;
	s5 =	simm.s32 $0xFFFFFFFF;
	p2 =	slt.u32 s8, $0xFFFFF086  }
0x1c: {  	p1 =	slt.u32 s9, $0xF7A;
	s5 =	simm.s32 @!p2 $0x0  }
0x1d: {  	s5 =	simm.s32 @p1 $0x1;
	p0 =	seq.s32 s7, s2  }
0x1e: {  	s7 =	smul.u32 @!p0 $0xF7A, s2;
	p2 =	seq.s32 @!p0 s5, $0x0  }
0x1f: {  	s9 =	smul.u32 $0xF7A, s1;
	s8 =	simm.s32 @!p0 $0x1BF5;
	p2 =	por !p2, p0  }
0x20: {  	[sflag:s8] =	ssyncset.s32 @!p0 $0xFFFFF086;
	s6 =	sadd.s32 @!p0 s3, s7;
	s7 =	simm.s32 @!p0 $0x108  }
0x21: {  	s3 =	sadd.s32 s3, s9;
	s6 =	sadd.s32 @!p0 $0x88, s6;
	s7 =	simm.s32 @p2 $0x1082  }
0x22: {  	[simem:s7], [sflag:s8] =	dma.local @!p0 [hbm:s6], $0xF7A  }
0x23: {  	s9 =	sor.u32 $0xD0000000, s2;
	s6 =	simm.s32 $0x108;
	_ =	swait.ge @!p0 [sflag:s8], $0x0  }
0x24: {  	s3 =	sadd.s32 $0x88, s3;
	s6 =	simm.s32 @!p1 $0x1082;
	[sflag:s4] =	ssyncset.s32 $0xFFFFF086  }
0x25: {  	[simem:s6], [sflag:s4] =	dma.local [hbm:s3], $0xF7A  }
0x26: {  	[smem:$0x3F93] =	sst s1;
	(tag) =	ssettag s2;
	_ =	strace s9  }
0x27: {  	s1 =	sld [smem:$0x3FA3]  }
0x28: {  	s2 =	sld [smem:$0x3FA4]  }
0x29: {  	s4 =	sld [smem:$0x3FA6]  }
0x2a: {  	p0 =	seq.s32 s5, $0x0;
	s5 =	sld [smem:$0x3FA7]  }
0x2b: {  	s6 =	sld [smem:$0x3FA8]  }
0x2c: {  	s7 =	sld [smem:$0x3FA9]  }
0x2d: {  	s3 =	simm.s32 $0x108;
	s8 =	sld [smem:$0x3FAA]  }
0x2e: {  	s3 =	simm.s32 @!p0 $0x1082;
	s9 =	sld [smem:$0x3FAB]  }
0x2f: {  	lr =	sadd.s32 s0, s3;
	s0 =	sld [smem:$0x3FA2]  }
0x30: {  	s3 =	sld [smem:$0x3FA5]  }
0x31: {  	[smem:$0x3FAE] =	sst s10  }
0x32: {  	s10 =	sld [smem:$0x3FAC];
	_ =	sdelay $0x3  }
0x33: {  	p0 =	seq.s32 s10, $0x1;
	s10 =	sld [smem:$0x3FAE];
	_ =	sdelay $0x3  }
0x34: {  	[smem:$0x3FAE] =	sst s10  }
0x35: {  	s10 =	sld [smem:$0x3FAD];
	_ =	sdelay $0x3  }
0x36: {  	p1 =	seq.s32 s10, $0x1;
	s10 =	sld [smem:$0x3FAE];
	_ =	sdelay $0x3  }
0x37: {  	[smem:$0x3FAE] =	sst s10  }
0x38: {  	s10 =	sld [smem:$0x3FAF]  }
0x39: {  	_ = 	snop;
	(pc) =	sbr.ind lr, $3  }
0x3a: {  	_ = 	snop  }
0x3b: {  	_ = 	snop  }
0x3c: {  	p2 =	seq.s32 s10, $0x1;
	s10 =	sld [smem:$0x3FAE]  }
0x3d: {  	_ =	shalt  }
0x3e: {  	_ =	shalt  }
0x3f: {  	_ =	shalt  }
0x40: {  	_ =	shalt  }
0x41: {  	_ =	shalt  }
0x42: {  	_ =	shalt  }
0x43: {  	_ =	shalt  }
0x44: {  	_ =	shalt  }
0x45: {  	_ =	shalt  }
0x46: {  	_ =	shalt  }
0x47: {  	_ =	shalt  }
0x48: {  	_ =	shalt  }
0x49: {  	_ =	shalt  }
0x4a: {  	_ =	shalt  }
0x4b: {  	_ =	shalt  }
0x4c: {  	_ =	shalt  }
0x4d: {  	_ =	shalt  }
0x4e: {  	_ =	shalt  }
0x4f: {  	_ =	shalt  }
0x50: {  	_ =	shalt  }
0x51: {  	_ =	shalt  }
0x52: {  	_ =	shalt  }
0x53: {  	_ =	shalt  }
0x54: {  	_ =	shalt  }
0x55: {  	_ =	shalt  }
0x56: {  	_ =	shalt  }
0x57: {  	_ =	shalt  }
0x58: {  	_ =	shalt  }
0x59: {  	_ =	shalt  }
0x5a: {  	_ =	shalt  }
0x5b: {  	_ =	shalt  }
0x5c: {  	_ =	shalt  }
0x5d: {  	_ =	shalt  }
0x5e: {  	_ =	shalt  }
0x5f: {  	_ =	shalt  }
0x60: {  	_ =	shalt  }
0x61: {  	_ =	shalt  }
0x62: {  	_ =	shalt  }
0x63: {  	_ =	shalt  }
0x64: {  	_ =	shalt  }
0x65: {  	_ =	shalt  }
0x66: {  	_ =	shalt  }
0x67: {  	_ =	shalt  }
0x68: {  	_ =	shalt  }
0x69: {  	_ =	shalt  }
0x6a: {  	_ =	shalt  }
0x6b: {  	_ =	shalt  }
0x6c: {  	_ =	shalt  }
0x6d: {  	_ =	shalt  }
0x6e: {  	_ =	shalt  }
0x6f: {  	_ =	shalt  }
0x70: {  	_ =	shalt  }
0x71: {  	_ =	shalt  }
0x72: {  	_ =	shalt  }
0x73: {  	_ =	shalt  }
0x74: {  	_ =	shalt  }
0x75: {  	_ =	shalt  }
0x76: {  	_ =	shalt  }
0x77: {  	_ =	shalt  }
0x78: {  	_ =	shalt  }
0x79: {  	_ =	shalt  }
0x7a: {  	_ =	shalt  }
0x7b: {  	_ =	shalt  }
0x7c: {  	_ =	shalt  }
0x7d: {  	_ =	shalt  }
0x7e: {  	_ =	shalt  }
0x7f: {  	_ =	shalt  }
0x80: {  	_ =	shalt  }
0x81: {  	_ =	shalt  }
0x82: {  	_ =	shalt  }
0x83: {  	_ =	shalt  }
0x84: {  	_ =	shalt  }
0x85: {  	_ =	shalt  }
0x86: {  	_ =	shalt  }
0x87: {  	_ =	shalt  }
.Lfunc_end0:
.L_simem_size_0:
called_computation.1_lowered:
.L_overlay_start_0:
0x88: {  	s2 =	sld [smem:$0x3FD9]  }
0x89: {  	s3 =	sld [smem:$0x3FFE];
	_ =	sdelay $0x1  }
0x8a: {  	s1 =	srdreg.scid  }
0x8b: {  	s0 =	sand.u32 $0x1, s1  }
0x8c: {  	s17 =	sshll.u32 s0, $0xA;
	s2 =	sadd.s32 s3, s2  }
0x8d: {  	s2 =	sadd.s32 s2, s17  }
0x8e: {  	[smem:$0x3FBA] =	sst s2  }
0x8f: {  	_ = 	snop  }
0x90: {  	s2 =	sld [smem:$0x3FD0];
	(tm) =	ssettm $0x1  }
0x91: {  	s18 =	sld [smem:$0x3FFB];
	_ =	sdelay $0x3  }
0x92: {  	_ =	strace s18  }
0x93: {  	s3 =	sld [smem:$0x3FFC];
	_ =	sdelay $0x3  }
0x94: {  	_ =	strace s3  }
0x95: {  	s3 =	sld [smem:$0x3FFD];
	_ =	sdelay $0x3  }
0x96: {  	_ =	strace s3  }
0x97: {  	_ =	strace $0x8FFFFFFF  }
0x98: {  	s19 =	sld [smem:$0x3FDB];
	_ =	sdelay $0x1  }
0x99: {  	s4 =	simm.s32 $_scs_section_size  }
0x9a: {  	s5 =	simm.s32 $_size__tile_overlayer_lowered;
	s6 =	simm.s32 $_tile_overlayer_lowered  }
0x9b: {  	s22 =	simm.s32 $0x1BFF;
	s21 =	sshll.u32 s6, $0x1;
	s3 =	sadd.s32 s4, s19  }
0x9c: {  	s7 =	simm.s32 $0x0;
	s20 =	sshll.u32 s5, $0x1;
	s5 =	sadd.s32 s21, s3  }
0x9d: {  	[timem:s7], [sflag:s22] =	dma.local [hbm:s5], s20  }
0x9e: {  	_ =	swait.ge [sflag:s22], s20  }
0x9f: {  	s4 =	ssub.s32 $0x0, s20;
	[sflag:s22] =	ssyncset.done $0x0  }
0xa0: {  	[sflag:s22] =	ssyncadd.s32 s4;
	_ =	sdelay $0x1  }
0xa1: {  	s23 =	simm.s32 $0x1B8B  }
0xa2: {  	_ =	swait.ge [sflag:s23], $0x1  }
0xa3: {  	[sflag:s23] =	ssyncset.done $0x0  }
0xa4: {  	s25 =	simm.s32 $0x1B8E;
	s24 =	sld [smem:$0x3FFE];
	[sflag:s23] =	ssyncadd.s32 $0xFFFFFFFF  }
0xa5: {  	s26 =	simm.s32 $execute0_lowered;
	[smem:$0x3FD2] =	sst s25  }
0xa6: {  	s5 =	sshll.u32 s26, $0x1;
	_ =	strace $0x80000046;
	[dreg:$0x1] =	wrdreg $0xFFFFFFFF  }
0xa7: {  	s28 =	simm.s32 $_size_execute0_lowered;
	s3 =	sadd.s32 s3, s5;
	[dreg:$0x0] =	wrdreg $0x0  }
0xa8: {  	s5 =	sshll.u32 s28, $0x1;
	[dreg:$0x2] =	wrdreg s3  }
0xa9: {  	[dreg:$0x3] =	wrdreg s5  }
0xaa: {  	[dreg:$0x4] =	wrdreg $0xC0  }
0xab: {  	_ =	task [dreg:s7], $0x5FFFF  }
0xac: {  	[dreg:$0x1] =	wrdreg $0xFFFFFFFF  }
0xad: {  	[dreg:$0x0] =	wrdreg $0x60  }
0xae: {  	[dreg:$0x2] =	wrdreg s2  }
0xaf: {  	[dreg:$0x3] =	wrdreg s24  }
0xb0: {  	[dreg:$0x4] =	wrdreg $0x9  }
0xb1: {  	_ =	task.clear_ibuf [dreg:s7], $0x5FFFF;
	_ =	strace $0x90000046  }
0xb2: {  	s29 =	simm.s32 $0x9;
	_ =	strace $0x80000048  }
0xb3: {  	_ =	swait.ge [sflag:s29], $0x1  }
0xb4: {  	[sflag:s29] =	ssyncadd.s32 $0xFFFFFFFF  }
0xb5: {  	_ =	strace $0x90000048  }
0xb6: {  	_ =	sfence  }
0xb7: {  	s30 =	sld [smem:$0x0];
	_ =	sdelay $0x2  }
0xb8: {  	s31 =	sshll.u32 s1, $0xD;
	s1 =	sshrl.u32 s1, $0x2  }
0xb9: {  	s3 =	sand.u32 $0x4000, s31;
	s1 =	sadd.s32 s1, s30  }
0xba: {  	s0 =	sor.u32 s3, s0;
	s1 =	sshll.u32 s1, $0x11  }
0xbb: {  	s0 =	sor.u32 s1, s0  }
0xbc: {  	s0 =	sadd.s32 $0x8F2B, s0  }
0xbd: {  	[sflag:s0] =	ssyncadd.remote.s32 $0x1  }
0xbe: {  	_ =	sfence.sel $0xFFFF  }
0xbf: {  	[dreg:$0x0] =	wrdreg $0xFFFFFFFF;
	(pc) =	sbr.abs _section_cstart, $3  }
0xc0: {  	[dreg:$0x1] =	wrdreg $0xFFFFFFFF  }
0xc1: {  	_ =	task.clear_ibuf [dreg:s7], $0x2FFFF;
	_ =	strace $0x9FFFFFFF  }
0xc2: {  	(tm) =	ssettm $0x7FFFFFFF  }
0xc3: {  	_ =	shalt  }
tec
execute0_lowered:
.L_overlay_start_1:
0x0: {  	(tag) =	ssettag $0x1  }
0x1: {  	s1 =	srdreg.scid;
	s2 =	rddreg [dreg:$0x0]  }
0x2: {  	s0 =	stileid.u32;
	s5 =	rddreg [dreg:$0x1];
	s6 =	simm.s32 $0x1  }
0x3: {  	s9 =	simm.s32 $0x1;
	s10 =	simm.s32 $0x3;
	s1 =	sshll.u32 s1, $0x6  }
0x4: {  	s13 =	simm.s32 $0x0;
	s3 =	sshll.u32 s0, $0x7;
	s4 =	sand.u32 $0x40, s1  }
0x5: {  	s12 =	simm.s32 $0x0;
	s1 =	rddreg [dreg:$0x2];
	s3 =	sor.u32 s3, s4  }
0x6: {  	_ =	strace $0x80000047;
	s4 =	sadd.s32 $0x2000, s5;
	s8 =	ssub.s32 $0x1000, s3  }
.Ltmp0:
0x7: {  	s5 =	sadd.s32 $0x2200, s5;
	s7 =	sand.u32 $0x7C0, s8;
	(pc) =	sbr.rel .LBB2_1-.Ltmp0, $4  }
0x8: {  	[sflag:s6] =	ssyncpa.u1 $0x0;
	s11 =	smov.u32 s3;
	p0 =	sne.s32 s7, $0x0  }
0x9: {  	s8 =	sshrl.u32 s8, $0xB;
	s7 =	simm.s32 $0x2;
	s9 =	simm.s32 @!p0 $0x0  }
0xa: {  	[sflag:s7] =	ssyncpa.u1 $0x0;
	p0 =	por $0x0, $0x0;
	s8 =	sadd.s32 s9, s8  }
0xb: {  	vm0 =	vmmov $0xffff;
	[sflag:s10] =	ssyncpa.u1 $0x0;
	s10 =	simm.s32 $0x0;
	s9 =	sadd.s32 $0x1, s8  }
.LBB2_4:
0xc: {  	v1 =	vsel vm1, $0xFFFFFFFF, v1;
	v2 =	vand.u32 $0x3, v2  }
0xd: {  	v2 =	vsel vm1, $0xFFFFFFFF, v2;
	v3 =	vshll.u32 v1, $0x2  }
0xe: {  	v4 =	vand.u32 $0xFFFFC000, v2;
	v3 =	vand.u32 $0xFFFFFE00, v3;
	v2 =	vshll.u32 v2, $0x7  }
0xf: {  	v3 =	vadd.s32 v3, v4;
	v2 =	vand.u32 $0x180, v2  }
0x10: {  	v1 =	vand.u32 $0x7F, v1;
	v2 =	vor.u32 v2, v3  }
0x11: {  	v1 =	vor.u32 v1, v2;
	_ =	sdelay $0x1  }
0x12: {  	(ifvalue) =	ssetifvalue $0x7FFFFFFF;
	s15 =	sadd.s32 $0x10, s15  }
0x13: {  	[tilespmem:s15], [sflag:$0x1] =	stream.indirect_vreg.gather [hbm4b:s2+s10], $0x1, v0, vm0, $0x4038;
	[tilespmem:$0x100] =	vst v63  }
0x14: {  	(ifvalue) =	ssetifvalue $0x7FFFFFFF;
	s15 =	sadd.s32 $0x10, s15  }
0x15: {  	[tilespmem:s15], [sflag:$0x1] =	stream.indirect_vreg.gather [hbm4b:s2+s10], $0x1, v1, vm0, $0x4038;
	[tilespmem:$0x100] =	vst v63  }
0x16: {  	_ =	swait.ge [sflag:s6], $0x40  }
0x17: {  	s30 =	sshrl.u32 s13, $0x3;
	[sflag:s6] =	ssyncset.done $0x0  }
0x18: {  	s31 =	sand.u32 $0x7, s13;
	s15 =	sadd.s32 s5, s30;
	[sflag:s6] =	ssyncadd.s32 $0xFFFFFFC0  }
0x19: {  	[hbm4b:s15+s31] =	stream.linear.scatter [tilespmem:s14], [sflag:$0x3], $0x40, $0x38;
	[tilespmem:$0x100] =	vst v63  }
.LBB2_5:
0x1a: {  	s15 =	sadd.s32 $0x800, s11  }
0x1b: {  	p2 =	sgt.s32 s15, $0xFFF  }
0x1c: {  	s15 =	smov.u32 @p2 s3;
	p2 =	sne.s32 s12, s9  }
.Ltmp1:
0x1d: {  	p1 =	slt.u32 s12, $0x2;
	(pc) =	sbr.rel @!p2 .LBB2_6-.Ltmp1, $4  }
0x1e: {  	s14 =	simm.s32 @!p1 $0x3  }
0x1f: {  	s16 =	sadd.s32 $0x1, s12;
	_ =	swait.ge @!p1 [sflag:s14], $0x40  }
0x20: {  	s13 =	smov.u32 s11;
	p0 =	por !p0, !p0;
	[sflag:s14] =	ssyncset.done @!p1 $0x0  }
0x21: {  	s12 =	smov.u32 s16;
	s11 =	smov.u32 s15;
	[sflag:s14] =	ssyncadd.s32 @!p1 $0xFFFFFFC0  }
.LBB2_1:
0x22: {  	p1 =	sge.u32 s12, s8  }
0x23: {  	s14 =	sxor.u32 @!p1 $0xFFFFFFFF, s12  }
0x24: {  	s31 =	sadd.s32 $0xFFFFFFFF, s12;
	s15 =	sshrl.u32 @!p1 s11, $0x3;
	s14 =	sshll.u32 @!p1 s14, $0x6  }
0x25: {  	s16 =	sand.u32 @!p1 $0x7, s11;
	s15 =	sadd.s32 @!p1 s4, s15;
	s14 =	sand.u32 @!p1 $0x40, s14  }
0x26: {  	[tilespmem:s14], [sflag:$0x2] =	stream.linear.gather @!p1 [hbm4b:s15+s16], $0x40, $0x38;
	[tilespmem:$0x100] =	vst v63  }
0x27: {  	p1 =	sge.u32 s31, s8  }
.Ltmp2:
0x28: {  	_ = 	snop;
	(pc) =	sbr.rel @p1 .LBB2_5-.Ltmp2, $1  }
0x29: {  	_ =	sdelay $0x3  }
0x2a: {  	s14 =	simm.s32 $0x1  }
0x2b: {  	_ =	swait.ge [sflag:s7], $0x40;
	s14 =	simm.s32 @!p0 $0x0  }
0x2c: {  	[sflag:s7] =	ssyncset.done $0x0;
	s14 =	sshll.u32 s14, $0x6  }
0x2d: {  	[sflag:s7] =	ssyncadd.s32 $0xFFFFFFC0;
	(ifvalue) =	ssetifvalue $0x7FFFFFFF;
	v0 =	vld.msk [tilespmem:s14+$0x0 ss:$0x1], $0xffff;
	_ =	sdelay $0x3  }
0x2e: {  	s15 =	sadd.s32 $0x10, s14  }
0x2f: {  	v2 =	vld.msk [tilespmem:s15+$0x0 ss:$0x1], $0xffff;
	vm1 =	veq.s32 v0, $0x80000000;
	v1 =	vand.u32 $0xFFF, v0;
	v0 =	vshrl.u32 v0, $0xC  }
0x30: {  	v1 =	vsel vm1, $0xFFFFFFFF, v1;
	v0 =	vand.u32 $0x3, v0  }
0x31: {  	v0 =	vsel vm1, $0xFFFFFFFF, v0;
	v3 =	vshll.u32 v1, $0x2  }
0x32: {  	v4 =	vand.u32 $0xFFFFC000, v0;
	v3 =	vand.u32 $0xFFFFFE00, v3;
	v0 =	vshll.u32 v0, $0x7  }
0x33: {  	v3 =	vadd.s32 v3, v4;
	v0 =	vand.u32 $0x180, v0  }
0x34: {  	v1 =	vand.u32 $0x7F, v1;
	vm1 =	veq.s32 v2, $0x80000000;
	v0 =	vor.u32 v0, v3  }
0x35: {  	v0 =	vor.u32 v1, v0;
	v1 =	vand.u32 $0xFFF, v2;
	v2 =	vshrl.u32 v2, $0xC  }
0x36: {  	s17 =	sadd.s32 $0x10, s15;
	v1 =	vsel vm1, $0xFFFFFFFF, v1;
	v2 =	vand.u32 $0x3, v2  }
0x37: {  	v3 =	vld.msk [tilespmem:s17+$0x0 ss:$0x1], $0xffff;
	v2 =	vsel vm1, $0xFFFFFFFF, v2;
	v63 =	vshll.u32 v1, $0x2  }
0x38: {  	v5 =	vand.u32 $0xFFFFC000, v2;
	v4 =	vand.u32 $0xFFFFFE00, v63;
	v2 =	vshll.u32 v2, $0x7  }
0x39: {  	s31 =	sshll.u32 s12, $0x6;
	s15 =	sor.u32 $0x80, s14;
	(ifvalue) =	ssetifvalue $0x7FFFFFFF;
	v4 =	vadd.s32 v4, v5;
	v2 =	vand.u32 $0x180, v2  }
0x3a: {  	[tilespmem:s15], [sflag:$0x1] =	stream.indirect_vreg.gather [hbm4b:s2+s10], $0x1, v0, vm0, $0x4038;
	v0 =	vand.u32 $0x7F, v1;
	v1 =	vor.u32 v2, v4;
	[tilespmem:$0x100] =	vst v63  }
0x3b: {  	s14 =	sand.u32 $0x40, s31;
	v0 =	vor.u32 v0, v1  }
0x3c: {  	s16 =	simm.s32 $0x20;
	s14 =	sor.u32 $0x80, s14;
	s17 =	sadd.s32 $0x10, s17;
	vm1 =	veq.s32 v3, $0x80000000;
	v2 =	vshrl.u32 v3, $0xC;
	v1 =	vand.u32 $0xFFF, v3  }
.LBB2_3:
0x3d: {  	v3 =	vld.msk [tilespmem:s17+$0x0 ss:$0x1], $0xffff;
	s16 =	sadd.s32 $0x10, s16;
	v1 =	vsel vm1, $0xFFFFFFFF, v1;
	v2 =	vand.u32 $0x3, v2  }
0x3e: {  	p1 =	slt.u32 s16, $0x30;
	v2 =	vsel vm1, $0xFFFFFFFF, v2;
	v4 =	vshll.u32 v1, $0x2  }
.Ltmp3:
0x3f: {  	s15 =	sadd.s32 $0x10, s15;
	v5 =	vand.u32 $0xFFFFC000, v2;
	v4 =	vand.u32 $0xFFFFFE00, v4;
	v2 =	vshll.u32 v2, $0x7;
	(ifvalue) =	ssetifvalue $0x7FFFFFFF;
	(pc) =	sbr.rel @p1 .LBB2_3-.Ltmp3, $4  }
0x40: {  	v4 =	vadd.s32 v4, v5;
	v2 =	vand.u32 $0x180, v2;
	[tilespmem:s15], [sflag:$0x1] =	stream.indirect_vreg.gather [hbm4b:s2+s10], $0x1, v0, vm0, $0x4038;
	[tilespmem:$0x100] =	vst v63  }
0x41: {  	v0 =	vand.u32 $0x7F, v1;
	v1 =	vor.u32 v2, v4  }
0x42: {  	v0 =	vor.u32 v0, v1  }
0x43: {  	s17 =	sadd.s32 $0x10, s17;
	vm1 =	veq.s32 v3, $0x80000000;
	v1 =	vand.u32 $0xFFF, v3;
	v2 =	vshrl.u32 v3, $0xC  }
.Ltmp4:
0x44: {  	_ = 	snop;
	(pc) =	sbr.rel .LBB2_4-.Ltmp4, $1  }
0x45: {  	_ =	sdelay $0x3  }
.LBB2_6:
0x46: {  	_ =	sfence.sel $0x180000  }
0x47: {  	s2 =	simm.s32 $0x2;
	[bflag:$0x0] =	sbarrier.arrive $0xFFFF  }
0x48: {  	s30 =	simm.s32 $0x3;
	[sflag:s2] =	ssyncpa.u1 $0x1  }
0x49: {  	s31 =	simm.s32 $0x1;
	[sflag:s30] =	ssyncpa.u1 $0x1  }
0x4a: {  	[sflag:s31] =	ssyncpa.u1 $0x1  }
0x4b: {  	p0 =	sne.s32 s0, $0x0;
	_ =	strace $0x90000047  }
0x4c: {  	s0 =	sadd.s32 @!p0 $0x100000, s1;
	[bflag:$0x2] =	sbarrier.arrive $0xFFFF  }
0x4d: {  	[sflag:s0] =	ssyncadd.tile.s32 @!p0 $0x1;
	_ =	shalt  }
.Lfunc_end2:
_tile_overlayer_lowered:
.L_overlay_start_2:
0x4e: {  	(tag) =	ssettag $0x2  }
0x4f: {  	s0 =	rddreg [dreg:$0x0];
	s2 =	stileid.u32  }
0x50: {  	s1 =	rddreg [dreg:$0x1];
	p0 =	sne.s32 s2, $0x0  }
0x51: {  	s3 =	rddreg [dreg:$0x2];
	[bflag:$0x3] =	sbarrier.arrive $0xFFFF;
	s2 =	simm.s32 @!p0 $0x1C01  }
0x52: {  	[timem:s3], [sflag:s2] =	dma.local @!p0 [hbm:s0], s1  }
0x53: {  	s0 =	simm.s32 @!p0 $0x1  }
0x54: {  	_ =	swait.ge @!p0 [sflag:s0], s1  }
0x55: {  	s1 =	ssub.s32 @!p0 $0x0, s1;
	[sflag:s0] =	ssyncset.done @!p0 $0x0  }
0x56: {  	[sflag:s0] =	ssyncadd.s32 @!p0 s1  }
0x57: {  	[bflag:$0x3] =	sbarrier.arrive $0xFFFF  }
0x58: {  	_ =	shalt  }

// kernel: gather_offload_async_start
scs
__scs_entry_jumppad:
0x0: {  	(pc) =	sbr.rel $0x88, $3  }
0x1: {  	(tag) =	ssettag $0x0;
	lr =	simm.s32 $0x1  }
0x2: {  	[smem:$0x3F93] =	sst lr;
	_ =	strace $0xD0000000  }
0x3: {  	_ = 	snop  }
0x4: {  	_ = 	snop  }
0x5: {  	_ = 	snop  }
0x6: {  	_ = 	snop  }
0x7: {  	_ = 	snop  }
__scs_overlays_trampoline_lowered:
0x8: {  	[smem:$0x3FA2] =	sst s0  }
0x9: {  	[smem:$0x3FA3] =	sst s1  }
0xa: {  	[smem:$0x3FA4] =	sst s2  }
0xb: {  	[smem:$0x3FA5] =	sst s3  }
0xc: {  	[smem:$0x3FA6] =	sst s4  }
0xd: {  	[smem:$0x3FA7] =	sst s5  }
0xe: {  	[smem:$0x3FA8] =	sst s6  }
0xf: {  	[smem:$0x3FA9] =	sst s7  }
0x10: {  	[smem:$0x3FAA] =	sst s8  }
0x11: {  	[smem:$0x3FAB] =	sst s9;
	s0 =	simm.s32 @!p0 $0x0  }
0x12: {  	s1 =	sld [smem:$0x3F91];
	s0 =	simm.s32 @p0 $0x1  }
0x13: {  	[smem:$0x3FAC] =	sst s0;
	s0 =	simm.s32 @!p1 $0x0  }
0x14: {  	s2 =	sld [smem:$0x3F90];
	s0 =	simm.s32 @p1 $0x1  }
0x15: {  	[smem:$0x3FAD] =	sst s0;
	s0 =	simm.s32 @!p2 $0x0  }
0x16: {  	s3 =	sld [smem:$0x3FDB];
	s0 =	simm.s32 @p2 $0x1  }
0x17: {  	s4 =	simm.s32 $0x1BF5;
	[smem:$0x3FAF] =	sst s0  }
0x18: {  	s0 =	sld [smem:$0x3F92];
	_ =	swait.ge [sflag:s4], $0x0  }
0x19: {  	s7 =	sld [smem:$0x3F93]  }
0x1a: {  	s8 =	sadd.s32 $0xFFFFE003, lr  }
0x1b: {  	s9 =	sadd.s32 $0xFFFFFEF7, lr;
	s5 =	simm.s32 $0xFFFFFFFF;
	p2 =	slt.u32 s8, $0xFFFFF086  }
0x1c: {  	p1 =	slt.u32 s9, $0xF7A;
	s5 =	simm.s32 @!p2 $0x0  }
0x1d: {  	s5 =	simm.s32 @p1 $0x1;
	p0 =	seq.s32 s7, s2  }
0x1e: {  	s7 =	smul.u32 @!p0 $0xF7A, s2;
	p2 =	seq.s32 @!p0 s5, $0x0  }
0x1f: {  	s9 =	smul.u32 $0xF7A, s1;
	s8 =	simm.s32 @!p0 $0x1BF5;
	p2 =	por !p2, p0  }
0x20: {  	[sflag:s8] =	ssyncset.s32 @!p0 $0xFFFFF086;
	s6 =	sadd.s32 @!p0 s3, s7;
	s7 =	simm.s32 @!p0 $0x108  }
0x21: {  	s3 =	sadd.s32 s3, s9;
	s6 =	sadd.s32 @!p0 $0x88, s6;
	s7 =	simm.s32 @p2 $0x1082  }
0x22: {  	[simem:s7], [sflag:s8] =	dma.local @!p0 [hbm:s6], $0xF7A  }
0x23: {  	s9 =	sor.u32 $0xD0000000, s2;
	s6 =	simm.s32 $0x108;
	_ =	swait.ge @!p0 [sflag:s8], $0x0  }
0x24: {  	s3 =	sadd.s32 $0x88, s3;
	s6 =	simm.s32 @!p1 $0x1082;
	[sflag:s4] =	ssyncset.s32 $0xFFFFF086  }
0x25: {  	[simem:s6], [sflag:s4] =	dma.local [hbm:s3], $0xF7A  }
0x26: {  	[smem:$0x3F93] =	sst s1;
	(tag) =	ssettag s2;
	_ =	strace s9  }
0x27: {  	s1 =	sld [smem:$0x3FA3]  }
0x28: {  	s2 =	sld [smem:$0x3FA4]  }
0x29: {  	s4 =	sld [smem:$0x3FA6]  }
0x2a: {  	p0 =	seq.s32 s5, $0x0;
	s5 =	sld [smem:$0x3FA7]  }
0x2b: {  	s6 =	sld [smem:$0x3FA8]  }
0x2c: {  	s7 =	sld [smem:$0x3FA9]  }
0x2d: {  	s3 =	simm.s32 $0x108;
	s8 =	sld [smem:$0x3FAA]  }
0x2e: {  	s3 =	simm.s32 @!p0 $0x1082;
	s9 =	sld [smem:$0x3FAB]  }
0x2f: {  	lr =	sadd.s32 s0, s3;
	s0 =	sld [smem:$0x3FA2]  }
0x30: {  	s3 =	sld [smem:$0x3FA5]  }
0x31: {  	[smem:$0x3FAE] =	sst s10  }
0x32: {  	s10 =	sld [smem:$0x3FAC];
	_ =	sdelay $0x3  }
0x33: {  	p0 =	seq.s32 s10, $0x1;
	s10 =	sld [smem:$0x3FAE];
	_ =	sdelay $0x3  }
0x34: {  	[smem:$0x3FAE] =	sst s10  }
0x35: {  	s10 =	sld [smem:$0x3FAD];
	_ =	sdelay $0x3  }
0x36: {  	p1 =	seq.s32 s10, $0x1;
	s10 =	sld [smem:$0x3FAE];
	_ =	sdelay $0x3  }
0x37: {  	[smem:$0x3FAE] =	sst s10  }
0x38: {  	s10 =	sld [smem:$0x3FAF]  }
0x39: {  	_ = 	snop;
	(pc) =	sbr.ind lr, $3  }
0x3a: {  	_ = 	snop  }
0x3b: {  	_ = 	snop  }
0x3c: {  	p2 =	seq.s32 s10, $0x1;
	s10 =	sld [smem:$0x3FAE]  }
0x3d: {  	_ =	shalt  }
0x3e: {  	_ =	shalt  }
0x3f: {  	_ =	shalt  }
0x40: {  	_ =	shalt  }
0x41: {  	_ =	shalt  }
0x42: {  	_ =	shalt  }
0x43: {  	_ =	shalt  }
0x44: {  	_ =	shalt  }
0x45: {  	_ =	shalt  }
0x46: {  	_ =	shalt  }
0x47: {  	_ =	shalt  }
0x48: {  	_ =	shalt  }
0x49: {  	_ =	shalt  }
0x4a: {  	_ =	shalt  }
0x4b: {  	_ =	shalt  }
0x4c: {  	_ =	shalt  }
0x4d: {  	_ =	shalt  }
0x4e: {  	_ =	shalt  }
0x4f: {  	_ =	shalt  }
0x50: {  	_ =	shalt  }
0x51: {  	_ =	shalt  }
0x52: {  	_ =	shalt  }
0x53: {  	_ =	shalt  }
0x54: {  	_ =	shalt  }
0x55: {  	_ =	shalt  }
0x56: {  	_ =	shalt  }
0x57: {  	_ =	shalt  }
0x58: {  	_ =	shalt  }
0x59: {  	_ =	shalt  }
0x5a: {  	_ =	shalt  }
0x5b: {  	_ =	shalt  }
0x5c: {  	_ =	shalt  }
0x5d: {  	_ =	shalt  }
0x5e: {  	_ =	shalt  }
0x5f: {  	_ =	shalt  }
0x60: {  	_ =	shalt  }
0x61: {  	_ =	shalt  }
0x62: {  	_ =	shalt  }
0x63: {  	_ =	shalt  }
0x64: {  	_ =	shalt  }
0x65: {  	_ =	shalt  }
0x66: {  	_ =	shalt  }
0x67: {  	_ =	shalt  }
0x68: {  	_ =	shalt  }
0x69: {  	_ =	shalt  }
0x6a: {  	_ =	shalt  }
0x6b: {  	_ =	shalt  }
0x6c: {  	_ =	shalt  }
0x6d: {  	_ =	shalt  }
0x6e: {  	_ =	shalt  }
0x6f: {  	_ =	shalt  }
0x70: {  	_ =	shalt  }
0x71: {  	_ =	shalt  }
0x72: {  	_ =	shalt  }
0x73: {  	_ =	shalt  }
0x74: {  	_ =	shalt  }
0x75: {  	_ =	shalt  }
0x76: {  	_ =	shalt  }
0x77: {  	_ =	shalt  }
0x78: {  	_ =	shalt  }
0x79: {  	_ =	shalt  }
0x7a: {  	_ =	shalt  }
0x7b: {  	_ =	shalt  }
0x7c: {  	_ =	shalt  }
0x7d: {  	_ =	shalt  }
0x7e: {  	_ =	shalt  }
0x7f: {  	_ =	shalt  }
0x80: {  	_ =	shalt  }
0x81: {  	_ =	shalt  }
0x82: {  	_ =	shalt  }
0x83: {  	_ =	shalt  }
0x84: {  	_ =	shalt  }
0x85: {  	_ =	shalt  }
0x86: {  	_ =	shalt  }
0x87: {  	_ =	shalt  }
.Lfunc_end0:
.L_simem_size_0:
called_computation_lowered:
.L_overlay_start_0:
0x88: {  	s2 =	sld [smem:$0x3FD9]  }
0x89: {  	s3 =	sld [smem:$0x3FFE];
	_ =	sdelay $0x1  }
0x8a: {  	s1 =	srdreg.scid  }
0x8b: {  	s0 =	sand.u32 $0x1, s1  }
0x8c: {  	s17 =	sshll.u32 s0, $0xA;
	s2 =	sadd.s32 s3, s2  }
0x8d: {  	s2 =	sadd.s32 s2, s17  }
0x8e: {  	[smem:$0x3FBA] =	sst s2  }
0x8f: {  	_ = 	snop  }
0x90: {  	s2 =	sld [smem:$0x3FC7];
	(tm) =	ssettm $0x1  }
0x91: {  	s18 =	sld [smem:$0x3FFB];
	_ =	sdelay $0x3  }
0x92: {  	_ =	strace s18  }
0x93: {  	s3 =	sld [smem:$0x3FFC];
	_ =	sdelay $0x3  }
0x94: {  	_ =	strace s3  }
0x95: {  	s3 =	sld [smem:$0x3FFD];
	_ =	sdelay $0x3  }
0x96: {  	_ =	strace s3  }
0x97: {  	_ =	strace $0x8FFFFFFF  }
0x98: {  	s19 =	sld [smem:$0x3FDB];
	_ =	sdelay $0x1  }
0x99: {  	s4 =	simm.s32 $_scs_section_size  }
0x9a: {  	s5 =	simm.s32 $_size__tile_overlayer_lowered;
	s6 =	simm.s32 $_tile_overlayer_lowered  }
0x9b: {  	s22 =	simm.s32 $0x1BFF;
	s21 =	sshll.u32 s6, $0x1;
	s3 =	sadd.s32 s4, s19  }
0x9c: {  	s7 =	simm.s32 $0x0;
	s20 =	sshll.u32 s5, $0x1;
	s5 =	sadd.s32 s21, s3  }
0x9d: {  	[timem:s7], [sflag:s22] =	dma.local [hbm:s5], s20  }
0x9e: {  	_ =	swait.ge [sflag:s22], s20  }
0x9f: {  	s4 =	ssub.s32 $0x0, s20;
	[sflag:s22] =	ssyncset.done $0x0  }
0xa0: {  	[sflag:s22] =	ssyncadd.s32 s4;
	_ =	sdelay $0x1  }
0xa1: {  	s23 =	simm.s32 $0x1B8B  }
0xa2: {  	_ =	swait.ge [sflag:s23], $0x1  }
0xa3: {  	[sflag:s23] =	ssyncset.done $0x0  }
0xa4: {  	s25 =	simm.s32 $0x1B8E;
	s24 =	sld [smem:$0x3FFE];
	[sflag:s23] =	ssyncadd.s32 $0xFFFFFFFF  }
0xa5: {  	s26 =	simm.s32 $execute0_lowered;
	[smem:$0x3FD2] =	sst s25  }
0xa6: {  	s5 =	sshll.u32 s26, $0x1;
	_ =	strace $0x80000049;
	[dreg:$0x1] =	wrdreg $0xFFFFFFFF  }
0xa7: {  	s28 =	simm.s32 $_size_execute0_lowered;
	s3 =	sadd.s32 s3, s5;
	[dreg:$0x0] =	wrdreg $0x0  }
0xa8: {  	s5 =	sshll.u32 s28, $0x1;
	[dreg:$0x2] =	wrdreg s3  }
0xa9: {  	[dreg:$0x3] =	wrdreg s5  }
0xaa: {  	[dreg:$0x4] =	wrdreg $0xC0  }
0xab: {  	_ =	task [dreg:s7], $0x5FFFF  }
0xac: {  	[dreg:$0x1] =	wrdreg $0xFFFFFFFF  }
0xad: {  	[dreg:$0x0] =	wrdreg $0x60  }
0xae: {  	[dreg:$0x2] =	wrdreg s2  }
0xaf: {  	[dreg:$0x3] =	wrdreg s24  }
0xb0: {  	[dreg:$0x4] =	wrdreg $0x9  }
0xb1: {  	_ =	task.clear_ibuf [dreg:s7], $0x5FFFF;
	_ =	strace $0x90000049  }
0xb2: {  	s29 =	simm.s32 $0x9;
	_ =	strace $0x8000004B  }
0xb3: {  	_ =	swait.ge [sflag:s29], $0x1  }
0xb4: {  	[sflag:s29] =	ssyncadd.s32 $0xFFFFFFFF  }
0xb5: {  	_ =	strace $0x9000004B  }
0xb6: {  	_ =	sfence  }
0xb7: {  	s30 =	sld [smem:$0x0];
	_ =	sdelay $0x2  }
0xb8: {  	s31 =	sshll.u32 s1, $0xD;
	s1 =	sshrl.u32 s1, $0x2  }
0xb9: {  	s3 =	sand.u32 $0x4000, s31;
	s1 =	sadd.s32 s1, s30  }
0xba: {  	s0 =	sor.u32 s3, s0;
	s1 =	sshll.u32 s1, $0x11  }
0xbb: {  	s0 =	sor.u32 s1, s0  }
0xbc: {  	s0 =	sadd.s32 $0x8F2B, s0  }
0xbd: {  	[sflag:s0] =	ssyncadd.remote.s32 $0x1  }
0xbe: {  	_ =	sfence.sel $0xFFFF  }
0xbf: {  	[dreg:$0x0] =	wrdreg $0xFFFFFFFF;
	(pc) =	sbr.abs _section_cstart, $3  }
0xc0: {  	[dreg:$0x1] =	wrdreg $0xFFFFFFFF  }
0xc1: {  	_ =	task.clear_ibuf [dreg:s7], $0x2FFFF;
	_ =	strace $0x9FFFFFFF  }
0xc2: {  	(tm) =	ssettm $0x7FFFFFFF  }
0xc3: {  	_ =	shalt  }
tec
execute0_lowered:
.L_overlay_start_1:
0x0: {  	(tag) =	ssettag $0x1  }
0x1: {  	s1 =	srdreg.scid;
	s2 =	rddreg [dreg:$0x0]  }
0x2: {  	s0 =	stileid.u32;
	s5 =	rddreg [dreg:$0x1];
	s6 =	simm.s32 $0x1  }
0x3: {  	s9 =	simm.s32 $0x1;
	s10 =	simm.s32 $0x3;
	s1 =	sshll.u32 s1, $0x7  }
0x4: {  	s13 =	simm.s32 $0x0;
	s3 =	sshll.u32 s0, $0x8;
	s4 =	sand.u32 $0x80, s1  }
0x5: {  	s12 =	simm.s32 $0x0;
	s1 =	rddreg [dreg:$0x2];
	s3 =	sor.u32 s3, s4  }
0x6: {  	_ =	strace $0x8000004A;
	s4 =	sadd.s32 $0x2200, s5;
	s8 =	ssub.s32 $0x1200, s3  }
.Ltmp0:
0x7: {  	s5 =	sadd.s32 $0x2600, s5;
	s7 =	sand.u32 $0xF80, s8;
	(pc) =	sbr.rel .LBB2_1-.Ltmp0, $4  }
0x8: {  	[sflag:s6] =	ssyncpa.u1 $0x0;
	s11 =	smov.u32 s3;
	p0 =	sne.s32 s7, $0x0  }
0x9: {  	s8 =	sshrl.u32 s8, $0xC;
	s7 =	simm.s32 $0x2;
	s9 =	simm.s32 @!p0 $0x0  }
0xa: {  	[sflag:s7] =	ssyncpa.u1 $0x0;
	p0 =	por $0x0, $0x0;
	s8 =	sadd.s32 s9, s8  }
0xb: {  	vm0 =	vmmov $0xffff;
	[sflag:s10] =	ssyncpa.u1 $0x0;
	s10 =	simm.s32 $0x0;
	s9 =	sadd.s32 $0x1, s8  }
.LBB2_4:
0xc: {  	v2 =	vnsel vm1, $0x0, v2  }
0xd: {  	vm1 =	vgt.s32 v0, $0x0;
	v2 =	vmin.u32 v2, $0xFFF  }
0xe: {  	v0 =	vnsel vm1, $0x0, v0  }
0xf: {  	v0 =	vmin.u32 v0, $0xFFF  }
0x10: {  	[tilespmem:s15], [sflag:$0x1] =	stream.indirect_vreg.gather [hbm4b:s2+s10], $0x1, v1, vm0, $0x4038;
	[tilespmem:$0x200] =	vst v63  }
0x11: {  	(ifvalue) =	ssetifvalue $0x7FFFFFFF  }
0x12: {  	[tilespmem:s16], [sflag:$0x1] =	stream.indirect_vreg.gather [hbm4b:s2+s10], $0x1, v2, vm0, $0x4038;
	[tilespmem:$0x200] =	vst v63  }
0x13: {  	s29 =	sadd.s32 $0x10, s16;
	(ifvalue) =	ssetifvalue $0x7FFFFFFF  }
0x14: {  	[tilespmem:s29], [sflag:$0x1] =	stream.indirect_vreg.gather [hbm4b:s2+s10], $0x1, v0, vm0, $0x4038;
	[tilespmem:$0x200] =	vst v63  }
0x15: {  	_ =	swait.ge [sflag:s6], $0x80  }
0x16: {  	s30 =	sshrl.u32 s13, $0x3;
	[sflag:s6] =	ssyncset.done $0x0  }
0x17: {  	s31 =	sand.u32 $0x7, s13;
	s15 =	sadd.s32 s5, s30;
	[sflag:s6] =	ssyncadd.s32 $0xFFFFFF80  }
0x18: {  	[hbm4b:s15+s31] =	stream.linear.scatter [tilespmem:s14], [sflag:$0x3], $0x80, $0x38;
	[tilespmem:$0x200] =	vst v63  }
.LBB2_5:
0x19: {  	s15 =	sadd.s32 $0x1000, s11  }
0x1a: {  	p2 =	sgt.s32 s15, $0x11FF  }
0x1b: {  	s15 =	smov.u32 @p2 s3;
	p2 =	sne.s32 s12, s9  }
.Ltmp1:
0x1c: {  	p1 =	slt.u32 s12, $0x2;
	(pc) =	sbr.rel @!p2 .LBB2_6-.Ltmp1, $4  }
0x1d: {  	s14 =	simm.s32 @!p1 $0x3  }
0x1e: {  	s16 =	sadd.s32 $0x1, s12;
	_ =	swait.ge @!p1 [sflag:s14], $0x80  }
0x1f: {  	s13 =	smov.u32 s11;
	p0 =	por !p0, !p0;
	[sflag:s14] =	ssyncset.done @!p1 $0x0  }
0x20: {  	s12 =	smov.u32 s16;
	s11 =	smov.u32 s15;
	[sflag:s14] =	ssyncadd.s32 @!p1 $0xFFFFFF80  }
.LBB2_1:
0x21: {  	p1 =	sge.u32 s12, s8  }
0x22: {  	s14 =	sxor.u32 @!p1 $0xFFFFFFFF, s12  }
0x23: {  	s31 =	sadd.s32 $0xFFFFFFFF, s12;
	s15 =	sshrl.u32 @!p1 s11, $0x3;
	s14 =	sshll.u32 @!p1 s14, $0x7  }
0x24: {  	s16 =	sand.u32 @!p1 $0x7, s11;
	s15 =	sadd.s32 @!p1 s4, s15;
	s14 =	sand.u32 @!p1 $0x80, s14  }
0x25: {  	[tilespmem:s14], [sflag:$0x2] =	stream.linear.gather @!p1 [hbm4b:s15+s16], $0x80, $0x38;
	[tilespmem:$0x200] =	vst v63  }
0x26: {  	p1 =	sge.u32 s31, s8  }
.Ltmp2:
0x27: {  	_ = 	snop;
	(pc) =	sbr.rel @p1 .LBB2_5-.Ltmp2, $1  }
0x28: {  	_ =	sdelay $0x3  }
0x29: {  	s14 =	simm.s32 $0x1  }
0x2a: {  	_ =	swait.ge [sflag:s7], $0x80;
	s14 =	simm.s32 @!p0 $0x0  }
0x2b: {  	[sflag:s7] =	ssyncset.done $0x0;
	s14 =	sshll.u32 s14, $0x7  }
0x2c: {  	[sflag:s7] =	ssyncadd.s32 $0xFFFFFF80;
	(ifvalue) =	ssetifvalue $0x7FFFFFFF;
	v0 =	vld.msk [tilespmem:s14+$0x0 ss:$0x1], $0xffff;
	_ =	sdelay $0x4  }
0x2d: {  	s15 =	sadd.s32 $0x10, s14;
	vm1 =	vgt.s32 v0, $0x0  }
0x2e: {  	v2 =	vld.msk [tilespmem:s15+$0x0 ss:$0x1], $0xffff;
	v1 =	vnsel vm1, $0x0, v0  }
0x2f: {  	v1 =	vmin.u32 v1, $0xFFF;
	_ =	sdelay $0x1  }
0x30: {  	s16 =	sshll.u32 s12, $0x7;
	s18 =	simm.s32 $0x20  }
0x31: {  	s16 =	sand.u32 $0x80, s16;
	s17 =	sadd.s32 $0x10, s15;
	s15 =	sor.u32 $0x100, s14  }
0x32: {  	s14 =	sor.u32 $0x100, s16;
	s16 =	sadd.s32 $0x10, s15;
	v0 =	vld.msk [tilespmem:s17+$0x0 ss:$0x1], $0xffff;
	vm1 =	vgt.s32 v2, $0x0;
	(ifvalue) =	ssetifvalue $0x7FFFFFFF  }
.LBB2_3:
0x33: {  	[tilespmem:s15], [sflag:$0x1] =	stream.indirect_vreg.gather [hbm4b:s2+s10], $0x1, v1, vm0, $0x4038;
	[tilespmem:$0x200] =	vst v63  }
0x34: {  	s18 =	sadd.s32 $0x10, s18  }
0x35: {  	v2 =	vnsel vm1, $0x0, v2;
	p1 =	slt.u32 s18, $0x70  }
.Ltmp3:
0x36: {  	s15 =	smov.u32 s16;
	v1 =	vmin.u32 v2, $0xFFF;
	(pc) =	sbr.rel @p1 .LBB2_3-.Ltmp3, $3  }
0x37: {  	_ =	sdelay $0x1  }
0x38: {  	s17 =	sadd.s32 $0x10, s17  }
0x39: {  	vm1 =	vgt.s32 v0, $0x0;
	s16 =	sadd.s32 $0x10, s16;
	v2 =	vmov v0;
	(ifvalue) =	ssetifvalue $0x7FFFFFFF;
	v0 =	vld.msk [tilespmem:s17+$0x0 ss:$0x1], $0xffff  }
.Ltmp4:
0x3a: {  	_ = 	snop;
	(pc) =	sbr.rel .LBB2_4-.Ltmp4, $1  }
0x3b: {  	_ =	sdelay $0x3  }
.LBB2_6:
0x3c: {  	_ =	sfence.sel $0x180000  }
0x3d: {  	s2 =	simm.s32 $0x2;
	[bflag:$0x0] =	sbarrier.arrive $0xFFFF  }
0x3e: {  	s30 =	simm.s32 $0x3;
	[sflag:s2] =	ssyncpa.u1 $0x1  }
0x3f: {  	s31 =	simm.s32 $0x1;
	[sflag:s30] =	ssyncpa.u1 $0x1  }
0x40: {  	[sflag:s31] =	ssyncpa.u1 $0x1  }
0x41: {  	p0 =	sne.s32 s0, $0x0;
	_ =	strace $0x9000004A  }
0x42: {  	s0 =	sadd.s32 @!p0 $0x100000, s1;
	[bflag:$0x2] =	sbarrier.arrive $0xFFFF  }
0x43: {  	[sflag:s0] =	ssyncadd.tile.s32 @!p0 $0x1;
	_ =	shalt  }
.Lfunc_end2:
_tile_overlayer_lowered:
.L_overlay_start_2:
0x44: {  	(tag) =	ssettag $0x2  }
0x45: {  	s0 =	rddreg [dreg:$0x0];
	s2 =	stileid.u32  }
0x46: {  	s1 =	rddreg [dreg:$0x1];
	p0 =	sne.s32 s2, $0x0  }
0x47: {  	s3 =	rddreg [dreg:$0x2];
	[bflag:$0x3] =	sbarrier.arrive $0xFFFF;
	s2 =	simm.s32 @!p0 $0x1C01  }
0x48: {  	[timem:s3], [sflag:s2] =	dma.local @!p0 [hbm:s0], s1  }
0x49: {  	s0 =	simm.s32 @!p0 $0x1  }
0x4a: {  	_ =	swait.ge @!p0 [sflag:s0], s1  }
0x4b: {  	s1 =	ssub.s32 @!p0 $0x0, s1;
	[sflag:s0] =	ssyncset.done @!p0 $0x0  }
0x4c: {  	[sflag:s0] =	ssyncadd.s32 @!p0 s1  }
0x4d: {  	[bflag:$0x3] =	sbarrier.arrive $0xFFFF  }
0x4e: {  	_ =	shalt  }

// kernel: kernel.6.cloned.1.call-start
scs
__scs_entry_jumppad:
0x0: {  	(pc) =	sbr.rel $0x88, $3  }
0x1: {  	(tag) =	ssettag $0x0;
	lr =	simm.s32 $0x1  }
0x2: {  	[smem:$0x3F93] =	sst lr;
	_ =	strace $0xD0000000  }
0x3: {  	_ = 	snop  }
0x4: {  	_ = 	snop  }
0x5: {  	_ = 	snop  }
0x6: {  	_ = 	snop  }
0x7: {  	_ = 	snop  }
__scs_overlays_trampoline_lowered:
0x8: {  	[smem:$0x3FA2] =	sst s0  }
0x9: {  	[smem:$0x3FA3] =	sst s1  }
0xa: {  	[smem:$0x3FA4] =	sst s2  }
0xb: {  	[smem:$0x3FA5] =	sst s3  }
0xc: {  	[smem:$0x3FA6] =	sst s4  }
0xd: {  	[smem:$0x3FA7] =	sst s5  }
0xe: {  	[smem:$0x3FA8] =	sst s6  }
0xf: {  	[smem:$0x3FA9] =	sst s7  }
0x10: {  	[smem:$0x3FAA] =	sst s8  }
0x11: {  	[smem:$0x3FAB] =	sst s9;
	s0 =	simm.s32 @!p0 $0x0  }
0x12: {  	s1 =	sld [smem:$0x3F91];
	s0 =	simm.s32 @p0 $0x1  }
0x13: {  	[smem:$0x3FAC] =	sst s0;
	s0 =	simm.s32 @!p1 $0x0  }
0x14: {  	s2 =	sld [smem:$0x3F90];
	s0 =	simm.s32 @p1 $0x1  }
0x15: {  	[smem:$0x3FAD] =	sst s0;
	s0 =	simm.s32 @!p2 $0x0  }
0x16: {  	s3 =	sld [smem:$0x3FDB];
	s0 =	simm.s32 @p2 $0x1  }
0x17: {  	s4 =	simm.s32 $0x1BF5;
	[smem:$0x3FAF] =	sst s0  }
0x18: {  	s0 =	sld [smem:$0x3F92];
	_ =	swait.ge [sflag:s4], $0x0  }
0x19: {  	s7 =	sld [smem:$0x3F93]  }
0x1a: {  	s8 =	sadd.s32 $0xFFFFE003, lr  }
0x1b: {  	s9 =	sadd.s32 $0xFFFFFEF7, lr;
	s5 =	simm.s32 $0xFFFFFFFF;
	p2 =	slt.u32 s8, $0xFFFFF086  }
0x1c: {  	p1 =	slt.u32 s9, $0xF7A;
	s5 =	simm.s32 @!p2 $0x0  }
0x1d: {  	s5 =	simm.s32 @p1 $0x1;
	p0 =	seq.s32 s7, s2  }
0x1e: {  	s7 =	smul.u32 @!p0 $0xF7A, s2;
	p2 =	seq.s32 @!p0 s5, $0x0  }
0x1f: {  	s9 =	smul.u32 $0xF7A, s1;
	s8 =	simm.s32 @!p0 $0x1BF5;
	p2 =	por !p2, p0  }
0x20: {  	[sflag:s8] =	ssyncset.s32 @!p0 $0xFFFFF086;
	s6 =	sadd.s32 @!p0 s3, s7;
	s7 =	simm.s32 @!p0 $0x108  }
0x21: {  	s3 =	sadd.s32 s3, s9;
	s6 =	sadd.s32 @!p0 $0x88, s6;
	s7 =	simm.s32 @p2 $0x1082  }
0x22: {  	[simem:s7], [sflag:s8] =	dma.local @!p0 [hbm:s6], $0xF7A  }
0x23: {  	s9 =	sor.u32 $0xD0000000, s2;
	s6 =	simm.s32 $0x108;
	_ =	swait.ge @!p0 [sflag:s8], $0x0  }
0x24: {  	s3 =	sadd.s32 $0x88, s3;
	s6 =	simm.s32 @!p1 $0x1082;
	[sflag:s4] =	ssyncset.s32 $0xFFFFF086  }
0x25: {  	[simem:s6], [sflag:s4] =	dma.local [hbm:s3], $0xF7A  }
0x26: {  	[smem:$0x3F93] =	sst s1;
	(tag) =	ssettag s2;
	_ =	strace s9  }
0x27: {  	s1 =	sld [smem:$0x3FA3]  }
0x28: {  	s2 =	sld [smem:$0x3FA4]  }
0x29: {  	s4 =	sld [smem:$0x3FA6]  }
0x2a: {  	p0 =	seq.s32 s5, $0x0;
	s5 =	sld [smem:$0x3FA7]  }
0x2b: {  	s6 =	sld [smem:$0x3FA8]  }
0x2c: {  	s7 =	sld [smem:$0x3FA9]  }
0x2d: {  	s3 =	simm.s32 $0x108;
	s8 =	sld [smem:$0x3FAA]  }
0x2e: {  	s3 =	simm.s32 @!p0 $0x1082;
	s9 =	sld [smem:$0x3FAB]  }
0x2f: {  	lr =	sadd.s32 s0, s3;
	s0 =	sld [smem:$0x3FA2]  }
0x30: {  	s3 =	sld [smem:$0x3FA5]  }
0x31: {  	[smem:$0x3FAE] =	sst s10  }
0x32: {  	s10 =	sld [smem:$0x3FAC];
	_ =	sdelay $0x3  }
0x33: {  	p0 =	seq.s32 s10, $0x1;
	s10 =	sld [smem:$0x3FAE];
	_ =	sdelay $0x3  }
0x34: {  	[smem:$0x3FAE] =	sst s10  }
0x35: {  	s10 =	sld [smem:$0x3FAD];
	_ =	sdelay $0x3  }
0x36: {  	p1 =	seq.s32 s10, $0x1;
	s10 =	sld [smem:$0x3FAE];
	_ =	sdelay $0x3  }
0x37: {  	[smem:$0x3FAE] =	sst s10  }
0x38: {  	s10 =	sld [smem:$0x3FAF]  }
0x39: {  	_ = 	snop;
	(pc) =	sbr.ind lr, $3  }
0x3a: {  	_ = 	snop  }
0x3b: {  	_ = 	snop  }
0x3c: {  	p2 =	seq.s32 s10, $0x1;
	s10 =	sld [smem:$0x3FAE]  }
0x3d: {  	_ =	shalt  }
0x3e: {  	_ =	shalt  }
0x3f: {  	_ =	shalt  }
0x40: {  	_ =	shalt  }
0x41: {  	_ =	shalt  }
0x42: {  	_ =	shalt  }
0x43: {  	_ =	shalt  }
0x44: {  	_ =	shalt  }
0x45: {  	_ =	shalt  }
0x46: {  	_ =	shalt  }
0x47: {  	_ =	shalt  }
0x48: {  	_ =	shalt  }
0x49: {  	_ =	shalt  }
0x4a: {  	_ =	shalt  }
0x4b: {  	_ =	shalt  }
0x4c: {  	_ =	shalt  }
0x4d: {  	_ =	shalt  }
0x4e: {  	_ =	shalt  }
0x4f: {  	_ =	shalt  }
0x50: {  	_ =	shalt  }
0x51: {  	_ =	shalt  }
0x52: {  	_ =	shalt  }
0x53: {  	_ =	shalt  }
0x54: {  	_ =	shalt  }
0x55: {  	_ =	shalt  }
0x56: {  	_ =	shalt  }
0x57: {  	_ =	shalt  }
0x58: {  	_ =	shalt  }
0x59: {  	_ =	shalt  }
0x5a: {  	_ =	shalt  }
0x5b: {  	_ =	shalt  }
0x5c: {  	_ =	shalt  }
0x5d: {  	_ =	shalt  }
0x5e: {  	_ =	shalt  }
0x5f: {  	_ =	shalt  }
0x60: {  	_ =	shalt  }
0x61: {  	_ =	shalt  }
0x62: {  	_ =	shalt  }
0x63: {  	_ =	shalt  }
0x64: {  	_ =	shalt  }
0x65: {  	_ =	shalt  }
0x66: {  	_ =	shalt  }
0x67: {  	_ =	shalt  }
0x68: {  	_ =	shalt  }
0x69: {  	_ =	shalt  }
0x6a: {  	_ =	shalt  }
0x6b: {  	_ =	shalt  }
0x6c: {  	_ =	shalt  }
0x6d: {  	_ =	shalt  }
0x6e: {  	_ =	shalt  }
0x6f: {  	_ =	shalt  }
0x70: {  	_ =	shalt  }
0x71: {  	_ =	shalt  }
0x72: {  	_ =	shalt  }
0x73: {  	_ =	shalt  }
0x74: {  	_ =	shalt  }
0x75: {  	_ =	shalt  }
0x76: {  	_ =	shalt  }
0x77: {  	_ =	shalt  }
0x78: {  	_ =	shalt  }
0x79: {  	_ =	shalt  }
0x7a: {  	_ =	shalt  }
0x7b: {  	_ =	shalt  }
0x7c: {  	_ =	shalt  }
0x7d: {  	_ =	shalt  }
0x7e: {  	_ =	shalt  }
0x7f: {  	_ =	shalt  }
0x80: {  	_ =	shalt  }
0x81: {  	_ =	shalt  }
0x82: {  	_ =	shalt  }
0x83: {  	_ =	shalt  }
0x84: {  	_ =	shalt  }
0x85: {  	_ =	shalt  }
0x86: {  	_ =	shalt  }
0x87: {  	_ =	shalt  }
.Lfunc_end0:
.L_simem_size_0:
called_computation.2_lowered:
.L_overlay_start_0:
0x88: {  	s2 =	sld [smem:$0x3FD9]  }
0x89: {  	s3 =	sld [smem:$0x3FFE];
	_ =	sdelay $0x1  }
0x8a: {  	s1 =	srdreg.scid  }
0x8b: {  	s0 =	sand.u32 $0x1, s1  }
0x8c: {  	s17 =	sshll.u32 s0, $0xA;
	s2 =	sadd.s32 s3, s2  }
0x8d: {  	s2 =	sadd.s32 s2, s17  }
0x8e: {  	[smem:$0x3FBA] =	sst s2  }
0x8f: {  	_ = 	snop  }
0x90: {  	s18 =	sld [smem:$0x3FC9]  }
0x91: {  	s4 =	sld [smem:$0x3FD0];
	(tm) =	ssettm $0x1  }
0x92: {  	s19 =	sld [smem:$0x3FFB];
	_ =	sdelay $0x3  }
0x93: {  	_ =	strace s19  }
0x94: {  	s2 =	sld [smem:$0x3FFC];
	_ =	sdelay $0x3  }
0x95: {  	_ =	strace s2  }
0x96: {  	s2 =	sld [smem:$0x3FFD];
	_ =	sdelay $0x3  }
0x97: {  	_ =	strace s2  }
0x98: {  	_ =	strace $0x8FFFFFFF  }
0x99: {  	s20 =	sld [smem:$0x3FDB];
	_ =	sdelay $0x1  }
0x9a: {  	s5 =	simm.s32 $_scs_section_size  }
0x9b: {  	s6 =	simm.s32 $_size__tile_overlayer_lowered;
	s7 =	simm.s32 $_tile_overlayer_lowered  }
0x9c: {  	s8 =	simm.s32 $0x1BFF;
	s21 =	sshll.u32 s7, $0x1;
	s5 =	sadd.s32 s5, s20  }
0x9d: {  	s22 =	simm.s32 $0x0;
	s6 =	sshll.u32 s6, $0x1;
	s7 =	sadd.s32 s21, s5  }
0x9e: {  	[timem:s22], [sflag:s8] =	dma.local [hbm:s7], s6  }
0x9f: {  	_ =	swait.ge [sflag:s8], s6  }
0xa0: {  	s6 =	ssub.s32 $0x0, s6;
	[sflag:s8] =	ssyncset.done $0x0  }
0xa1: {  	[sflag:s8] =	ssyncadd.s32 s6;
	_ =	sdelay $0x1  }
0xa2: {  	s23 =	simm.s32 $0x1B8B  }
0xa3: {  	_ =	swait.ge [sflag:s23], $0x1  }
0xa4: {  	[sflag:s23] =	ssyncset.done $0x0  }
0xa5: {  	[sflag:s23] =	ssyncadd.s32 $0xFFFFFFFF  }
0xa6: {  	s6 =	sld [smem:$0x0]  }
0xa7: {  	s7 =	sand.u32 $0xFFFFFFFE, s1  }
0xa8: {  	p0 =	sne.s32 s1, s7  }
0xa9: {  	s7 =	sshll.u32 @p0 s7, $0xE  }
0xaa: {  	s7 =	sadd.s32 @p0 $0x11B8D, s7;
	s8 =	sshll.u32 @p0 s6, $0x11  }
0xab: {  	s7 =	sor.u32 @p0 s8, s7  }
0xac: {  	[sflag:s7] =	ssyncadd.remote.s32 @p0 $0x1;
	_ =	sdelay $0x1  }
0xad: {  	s7 =	simm.s32 @p0 $0x1B8D  }
0xae: {  	_ =	swait.eq @p0 [sflag:s7], $0x1  }
0xaf: {  	[sflag:s7] =	ssyncadd.s32 @p0 $0xFFFFFFFF  }
0xb0: {  	s8 =	sshll.u32 @!p0 s1, $0xE  }
0xb1: {  	s8 =	sor.u32 @!p0 $0x4000, s8;
	s7 =	simm.s32 @!p0 $0x1B8D  }
0xb2: {  	s6 =	sshll.u32 @!p0 s6, $0x11;
	s8 =	sadd.s32 @!p0 $0x11B8D, s8;
	_ =	swait.eq @!p0 [sflag:s7], $0x1  }
0xb3: {  	s6 =	sor.u32 @!p0 s6, s8;
	[sflag:s7] =	ssyncadd.s32 @!p0 $0xFFFFFFFF  }
0xb4: {  	s25 =	simm.s32 $0x1B8E;
	s24 =	sld [smem:$0x3FFE];
	[sflag:s6] =	ssyncadd.remote.s32 @!p0 $0x1  }
0xb5: {  	s26 =	simm.s32 $execute0_lowered;
	[smem:$0x3FD2] =	sst s25  }
0xb6: {  	s7 =	sshll.u32 s26, $0x1;
	_ =	strace $0x8000004C;
	[dreg:$0x1] =	wrdreg $0xFFFFFFFF  }
0xb7: {  	s28 =	simm.s32 $_size_execute0_lowered;
	s5 =	sadd.s32 s5, s7;
	[dreg:$0x0] =	wrdreg $0x0  }
0xb8: {  	s7 =	sshll.u32 s28, $0x1;
	[dreg:$0x2] =	wrdreg s5  }
0xb9: {  	[dreg:$0x3] =	wrdreg s7  }
0xba: {  	[dreg:$0x4] =	wrdreg $0xC0  }
0xbb: {  	_ =	task [dreg:s22], $0x5FFFF  }
0xbc: {  	[dreg:$0x1] =	wrdreg $0xFFFFFFFF  }
0xbd: {  	[dreg:$0x0] =	wrdreg $0x60  }
0xbe: {  	[dreg:$0x2] =	wrdreg s18  }
0xbf: {  	[dreg:$0x3] =	wrdreg s4  }
0xc0: {  	[dreg:$0x4] =	wrdreg s24  }
0xc1: {  	[dreg:$0x5] =	wrdreg $0xA  }
0xc2: {  	_ =	task.clear_ibuf [dreg:s22], $0x6FFFF;
	_ =	strace $0x9000004C  }
0xc3: {  	s29 =	simm.s32 $0xA;
	_ =	strace $0x8000004E  }
0xc4: {  	_ =	swait.ge [sflag:s29], $0x1  }
0xc5: {  	[sflag:s29] =	ssyncadd.s32 $0xFFFFFFFF  }
0xc6: {  	_ =	strace $0x9000004E  }
0xc7: {  	_ =	sfence  }
0xc8: {  	s30 =	sld [smem:$0x0];
	_ =	sdelay $0x2  }
0xc9: {  	s31 =	sshll.u32 s1, $0xD;
	s1 =	sshrl.u32 s1, $0x2  }
0xca: {  	s4 =	sand.u32 $0x4000, s31;
	s1 =	sadd.s32 s1, s30  }
0xcb: {  	s0 =	sor.u32 s4, s0;
	s1 =	sshll.u32 s1, $0x11  }
0xcc: {  	s0 =	sor.u32 s1, s0  }
0xcd: {  	s0 =	sadd.s32 $0x8F2B, s0  }
0xce: {  	[sflag:s0] =	ssyncadd.remote.s32 $0x1  }
0xcf: {  	_ =	sfence.sel $0xFFFF  }
0xd0: {  	[dreg:$0x0] =	wrdreg $0xFFFFFFFF;
	(pc) =	sbr.abs _section_cstart, $3  }
0xd1: {  	[dreg:$0x1] =	wrdreg $0xFFFFFFFF  }
0xd2: {  	_ =	task.clear_ibuf [dreg:s22], $0x2FFFF;
	_ =	strace $0x9FFFFFFF  }
0xd3: {  	(tm) =	ssettm $0x7FFFFFFF  }
tec
execute0_lowered:
.L_overlay_start_1:
0x0: {  	(tag) =	ssettag $0x1  }
0x1: {  	s1 =	rddreg [dreg:$0x0]  }
0x2: {  	s0 =	rddreg [dreg:$0x1];
	s2 =	srdreg.scid  }
0x3: {  	s3 =	stileid.u32;
	s4 =	rddreg [dreg:$0x2];
	s12 =	simm.s32 $0x2  }
0x4: {  	s28 =	simm.s32 $0x1900;
	s29 =	simm.s32 $0x2100;
	s30 =	simm.s32 $0x2900  }
0x5: {  	s31 =	simm.s32 $0x3100;
	s14 =	simm.s32 $0x4900;
	s15 =	simm.s32 $0x5100  }
0x6: {  	s16 =	simm.s32 $0x5900;
	s17 =	simm.s32 $0x6100;
	s18 =	simm.s32 $0x6900  }
0x7: {  	s19 =	simm.s32 $0x7100;
	s20 =	simm.s32 $0x7900;
	s21 =	simm.s32 $0x8100  }
0x8: {  	s2 =	sand.u32 $0x1, s2;
	s5 =	sshll.u32 s3, $0x1;
	s3 =	simm.s32 $0x0  }
0x9: {  	s7 =	sadd.s32 $0x2A00, s4;
	s4 =	sadd.s32 $0x100, s1;
	s5 =	sor.u32 s2, s5  }
0xa: {  	s10 =	sadd.s32 $0x700, s1;
	[smem:$0x7FF] =	sst s3;
	s6 =	smul.u32 $0x12, s5  }
0xb: {  	s2 =	ssub.s32 $0x2, s2;
	_ =	strace $0x8000004D;
	s23 =	smul.u32 $0x48000, s5  }
0xc: {  	s22 =	sshrl.u32 s2, $0x1;
	s24 =	smul.u32 $0x9000, s5;
	s5 =	sadd.s32 $0x200, s1  }
0xd: {  	s2 =	ssub.s32 s2, s22;
	s22 =	simm.s32 $0x8900;
	s0 =	sadd.s32 s0, s6  }
0xe: {  	s8 =	sshrl.u32 s23, $0x3;
	s6 =	sadd.s32 $0x300, s1;
	s11 =	smax.u32 s2, $0x1  }
0xf: {  	s23 =	simm.s32 $0x1;
	[dreg:$0x4] =	wrdreg s0;
	s0 =	sadd.s32 s7, s24  }
0x10: {  	s9 =	sadd.s32 s7, s8;
	s7 =	sadd.s32 $0x400, s1;
	s8 =	sadd.s32 $0x500, s1  }
0x11: {  	v2 =	vlaneseq.u32;
	[dreg:$0x5] =	wrdreg s0;
	s25 =	sadd.s32 $0x3000, s9;
	s26 =	sadd.s32 $0x6000, s9  }
0x12: {  	vm0 =	vmmov $0xffff;
	v1 =	vshrl.u32 v2, $0x3;
	s9 =	sadd.s32 $0x600, s1;
	s0 =	simm.s32 $0x100;
	[dreg:$0x6] =	wrdreg s25  }
0x13: {  	v0 =	vand.u32 $0x7, v2;
	v2 =	vor.u32 $0x8, v2;
	v1 =	vmul.u32 $0x8, v1;
	[dreg:$0x7] =	wrdreg s26;
	s25 =	simm.s32 $0x900;
	s26 =	simm.s32 $0x1100  }
.LBB2_1:
0x14: {  	s24 =	rddreg [dreg:$0x4]  }
0x15: {  	[tilespmem:s3], [sflag:$0x2] =	stream.linear.gather [hbm4b:s24+s3], $0x90, $0x38;
	[tilespmem:$0x18100] =	vst v63  }
0x16: {  	_ =	swait.ge [sflag:s12], $0x90  }
0x17: {  	[sflag:s12] =	ssyncset.done $0x0  }
0x18: {  	[sflag:s12] =	ssyncadd.s32 $0xFFFFFF70  }
0x19: {  	v3 =	vld [tilespmem:$0x0];
	_ =	sdelay $0x4  }
0x1a: {  	v4 =	vshll.u32 v3, $0x4  }
0x1b: {  	v3 =	vand.u32 $0x7, v3;
	v4 =	vand.u32 $0xFFFFFF80, v4  }
0x1c: {  	v3 =	vor.u32 v3, v4  }
0x1d: {  	v4 =	vperm.xlane v3, v0;
	_ =	sdelay $0x1  }
0x1e: {  	v4 =	vadd.s32 v1, v4;
	_ =	sdelay $0x4  }
0x1f: {  	[tilespmem:s0], [sflag:$0x1] =	stream.indirect_vreg.gather [hbm4b:s1+s3], $0x80, v4, vm0, $0xb8;
	[tilespmem:$0x18100] =	vst v63  }
0x20: {  	_ = 	snop  }
0x21: {  	[tilespmem:s25], [sflag:$0x1] =	stream.indirect_vreg.gather [hbm4b:s4+s3], $0x80, v4, vm0, $0xb8;
	[tilespmem:$0x18100] =	vst v63  }
0x22: {  	_ = 	snop  }
0x23: {  	[tilespmem:s26], [sflag:$0x1] =	stream.indirect_vreg.gather [hbm4b:s5+s3], $0x80, v4, vm0, $0xb8;
	[tilespmem:$0x18100] =	vst v63  }
0x24: {  	_ = 	snop  }
0x25: {  	[tilespmem:s28], [sflag:$0x1] =	stream.indirect_vreg.gather [hbm4b:s6+s3], $0x80, v4, vm0, $0xb8;
	[tilespmem:$0x18100] =	vst v63  }
0x26: {  	_ = 	snop  }
0x27: {  	[tilespmem:s29], [sflag:$0x1] =	stream.indirect_vreg.gather [hbm4b:s7+s3], $0x80, v4, vm0, $0xb8;
	[tilespmem:$0x18100] =	vst v63  }
0x28: {  	v3 =	vperm.xlane v3, v2  }
0x29: {  	[tilespmem:s30], [sflag:$0x1] =	stream.indirect_vreg.gather [hbm4b:s8+s3], $0x80, v4, vm0, $0xb8;
	[tilespmem:$0x18100] =	vst v63  }
0x2a: {  	v3 =	vadd.s32 v1, v3  }
0x2b: {  	[tilespmem:s31], [sflag:$0x1] =	stream.indirect_vreg.gather [hbm4b:s9+s3], $0x80, v4, vm0, $0xb8;
	[tilespmem:$0x18100] =	vst v63  }
0x2c: {  	s2 =	simm.s32 $0x3900  }
0x2d: {  	[tilespmem:s2], [sflag:$0x1] =	stream.indirect_vreg.gather [hbm4b:s10+s3], $0x80, v4, vm0, $0xb8;
	[tilespmem:$0x18100] =	vst v63  }
0x2e: {  	s13 =	simm.s32 $0x4100  }
0x2f: {  	[tilespmem:s13], [sflag:$0x1] =	stream.indirect_vreg.gather [hbm4b:s1+s3], $0x80, v3, vm0, $0xb8;
	[tilespmem:$0x18100] =	vst v63  }
0x30: {  	_ = 	snop  }
0x31: {  	[tilespmem:s14], [sflag:$0x1] =	stream.indirect_vreg.gather [hbm4b:s4+s3], $0x80, v3, vm0, $0xb8;
	[tilespmem:$0x18100] =	vst v63  }
0x32: {  	_ = 	snop  }
0x33: {  	[tilespmem:s15], [sflag:$0x1] =	stream.indirect_vreg.gather [hbm4b:s5+s3], $0x80, v3, vm0, $0xb8;
	[tilespmem:$0x18100] =	vst v63  }
0x34: {  	_ = 	snop  }
0x35: {  	[tilespmem:s16], [sflag:$0x1] =	stream.indirect_vreg.gather [hbm4b:s6+s3], $0x80, v3, vm0, $0xb8;
	[tilespmem:$0x18100] =	vst v63  }
0x36: {  	_ = 	snop  }
0x37: {  	[tilespmem:s17], [sflag:$0x1] =	stream.indirect_vreg.gather [hbm4b:s7+s3], $0x80, v3, vm0, $0xb8;
	[tilespmem:$0x18100] =	vst v63  }
0x38: {  	_ = 	snop  }
0x39: {  	[tilespmem:s18], [sflag:$0x1] =	stream.indirect_vreg.gather [hbm4b:s8+s3], $0x80, v3, vm0, $0xb8;
	[tilespmem:$0x18100] =	vst v63  }
0x3a: {  	_ = 	snop  }
0x3b: {  	[tilespmem:s19], [sflag:$0x1] =	stream.indirect_vreg.gather [hbm4b:s9+s3], $0x80, v3, vm0, $0xb8;
	[tilespmem:$0x18100] =	vst v63  }
0x3c: {  	_ = 	snop  }
0x3d: {  	[tilespmem:s20], [sflag:$0x1] =	stream.indirect_vreg.gather [hbm4b:s10+s3], $0x80, v3, vm0, $0xb8;
	[tilespmem:$0x18100] =	vst v63  }
0x3e: {  	v3 =	vld [tilespmem:$0x10];
	_ =	sdelay $0x4  }
0x3f: {  	v56 =	vshll.u32 v3, $0x4  }
0x40: {  	v3 =	vand.u32 $0x7, v3;
	v4 =	vand.u32 $0xFFFFFF80, v56  }
0x41: {  	v3 =	vor.u32 v3, v4  }
0x42: {  	v4 =	vperm.xlane v3, v0;
	_ =	sdelay $0x1  }
0x43: {  	v4 =	vadd.s32 v1, v4;
	_ =	sdelay $0x4  }
0x44: {  	[tilespmem:s21], [sflag:$0x1] =	stream.indirect_vreg.gather [hbm4b:s1+s3], $0x80, v4, vm0, $0xb8;
	[tilespmem:$0x18100] =	vst v63  }
0x45: {  	_ = 	snop  }
0x46: {  	[tilespmem:s22], [sflag:$0x1] =	stream.indirect_vreg.gather [hbm4b:s4+s3], $0x80, v4, vm0, $0xb8;
	[tilespmem:$0x18100] =	vst v63  }
0x47: {  	s13 =	simm.s32 $0x9100  }
0x48: {  	[tilespmem:s13], [sflag:$0x1] =	stream.indirect_vreg.gather [hbm4b:s5+s3], $0x80, v4, vm0, $0xb8;
	[tilespmem:$0x18100] =	vst v63  }
0x49: {  	s24 =	simm.s32 $0x9900  }
0x4a: {  	[tilespmem:s24], [sflag:$0x1] =	stream.indirect_vreg.gather [hbm4b:s6+s3], $0x80, v4, vm0, $0xb8;
	[tilespmem:$0x18100] =	vst v63  }
0x4b: {  	s24 =	simm.s32 $0xA100  }
0x4c: {  	[tilespmem:s24], [sflag:$0x1] =	stream.indirect_vreg.gather [hbm4b:s7+s3], $0x80, v4, vm0, $0xb8;
	[tilespmem:$0x18100] =	vst v63  }
0x4d: {  	v3 =	vperm.xlane v3, v2;
	s24 =	simm.s32 $0xA900  }
0x4e: {  	[tilespmem:s24], [sflag:$0x1] =	stream.indirect_vreg.gather [hbm4b:s8+s3], $0x80, v4, vm0, $0xb8;
	[tilespmem:$0x18100] =	vst v63  }
0x4f: {  	v3 =	vadd.s32 v1, v3;
	s24 =	simm.s32 $0xB100  }
0x50: {  	[tilespmem:s24], [sflag:$0x1] =	stream.indirect_vreg.gather [hbm4b:s9+s3], $0x80, v4, vm0, $0xb8;
	[tilespmem:$0x18100] =	vst v63  }
0x51: {  	s24 =	simm.s32 $0xB900  }
0x52: {  	[tilespmem:s24], [sflag:$0x1] =	stream.indirect_vreg.gather [hbm4b:s10+s3], $0x80, v4, vm0, $0xb8;
	[tilespmem:$0x18100] =	vst v63  }
0x53: {  	s24 =	simm.s32 $0xC100  }
0x54: {  	[tilespmem:s24], [sflag:$0x1] =	stream.indirect_vreg.gather [hbm4b:s1+s3], $0x80, v3, vm0, $0xb8;
	[tilespmem:$0x18100] =	vst v63  }
0x55: {  	s24 =	simm.s32 $0xC900  }
0x56: {  	[tilespmem:s24], [sflag:$0x1] =	stream.indirect_vreg.gather [hbm4b:s4+s3], $0x80, v3, vm0, $0xb8;
	[tilespmem:$0x18100] =	vst v63  }
0x57: {  	s24 =	simm.s32 $0xD100  }
0x58: {  	[tilespmem:s24], [sflag:$0x1] =	stream.indirect_vreg.gather [hbm4b:s5+s3], $0x80, v3, vm0, $0xb8;
	[tilespmem:$0x18100] =	vst v63  }
0x59: {  	s24 =	simm.s32 $0xD900  }
0x5a: {  	[tilespmem:s24], [sflag:$0x1] =	stream.indirect_vreg.gather [hbm4b:s6+s3], $0x80, v3, vm0, $0xb8;
	[tilespmem:$0x18100] =	vst v63  }
0x5b: {  	s24 =	simm.s32 $0xE100  }
0x5c: {  	[tilespmem:s24], [sflag:$0x1] =	stream.indirect_vreg.gather [hbm4b:s7+s3], $0x80, v3, vm0, $0xb8;
	[tilespmem:$0x18100] =	vst v63  }
0x5d: {  	s24 =	simm.s32 $0xE900  }
0x5e: {  	[tilespmem:s24], [sflag:$0x1] =	stream.indirect_vreg.gather [hbm4b:s8+s3], $0x80, v3, vm0, $0xb8;
	[tilespmem:$0x18100] =	vst v63  }
0x5f: {  	s24 =	simm.s32 $0xF100  }
0x60: {  	[tilespmem:s24], [sflag:$0x1] =	stream.indirect_vreg.gather [hbm4b:s9+s3], $0x80, v3, vm0, $0xb8;
	[tilespmem:$0x18100] =	vst v63  }
0x61: {  	s24 =	simm.s32 $0xF900  }
0x62: {  	[tilespmem:s24], [sflag:$0x1] =	stream.indirect_vreg.gather [hbm4b:s10+s3], $0x80, v3, vm0, $0xb8;
	[tilespmem:$0x18100] =	vst v63  }
0x63: {  	v3 =	vld [tilespmem:$0x20];
	_ =	sdelay $0x4  }
0x64: {  	v57 =	vshll.u32 v3, $0x4  }
0x65: {  	v3 =	vand.u32 $0x7, v3;
	v4 =	vand.u32 $0xFFFFFF80, v57  }
0x66: {  	v3 =	vor.u32 v3, v4  }
0x67: {  	v4 =	vperm.xlane v3, v0;
	_ =	sdelay $0x1  }
0x68: {  	v4 =	vadd.s32 v1, v4;
	_ =	sdelay $0x3  }
0x69: {  	s24 =	simm.s32 $0x10100  }
0x6a: {  	[tilespmem:s24], [sflag:$0x1] =	stream.indirect_vreg.gather [hbm4b:s1+s3], $0x80, v4, vm0, $0xb8;
	[tilespmem:$0x18100] =	vst v63  }
0x6b: {  	s24 =	simm.s32 $0x10900  }
0x6c: {  	[tilespmem:s24], [sflag:$0x1] =	stream.indirect_vreg.gather [hbm4b:s4+s3], $0x80, v4, vm0, $0xb8;
	[tilespmem:$0x18100] =	vst v63  }
0x6d: {  	s24 =	simm.s32 $0x11100  }
0x6e: {  	[tilespmem:s24], [sflag:$0x1] =	stream.indirect_vreg.gather [hbm4b:s5+s3], $0x80, v4, vm0, $0xb8;
	[tilespmem:$0x18100] =	vst v63  }
0x6f: {  	s24 =	simm.s32 $0x11900  }
0x70: {  	[tilespmem:s24], [sflag:$0x1] =	stream.indirect_vreg.gather [hbm4b:s6+s3], $0x80, v4, vm0, $0xb8;
	[tilespmem:$0x18100] =	vst v63  }
0x71: {  	s24 =	simm.s32 $0x12100  }
0x72: {  	[tilespmem:s24], [sflag:$0x1] =	stream.indirect_vreg.gather [hbm4b:s7+s3], $0x80, v4, vm0, $0xb8;
	[tilespmem:$0x18100] =	vst v63  }
0x73: {  	v3 =	vperm.xlane v3, v2;
	s24 =	simm.s32 $0x12900  }
0x74: {  	[tilespmem:s24], [sflag:$0x1] =	stream.indirect_vreg.gather [hbm4b:s8+s3], $0x80, v4, vm0, $0xb8;
	[tilespmem:$0x18100] =	vst v63  }
0x75: {  	v3 =	vadd.s32 v1, v3;
	s24 =	simm.s32 $0x13100  }
0x76: {  	[tilespmem:s24], [sflag:$0x1] =	stream.indirect_vreg.gather [hbm4b:s9+s3], $0x80, v4, vm0, $0xb8;
	[tilespmem:$0x18100] =	vst v63  }
0x77: {  	s24 =	simm.s32 $0x13900  }
0x78: {  	[tilespmem:s24], [sflag:$0x1] =	stream.indirect_vreg.gather [hbm4b:s10+s3], $0x80, v4, vm0, $0xb8;
	[tilespmem:$0x18100] =	vst v63  }
0x79: {  	s24 =	simm.s32 $0x14100  }
0x7a: {  	[tilespmem:s24], [sflag:$0x1] =	stream.indirect_vreg.gather [hbm4b:s1+s3], $0x80, v3, vm0, $0xb8;
	[tilespmem:$0x18100] =	vst v63  }
0x7b: {  	s24 =	simm.s32 $0x14900  }
0x7c: {  	[tilespmem:s24], [sflag:$0x1] =	stream.indirect_vreg.gather [hbm4b:s4+s3], $0x80, v3, vm0, $0xb8;
	[tilespmem:$0x18100] =	vst v63  }
0x7d: {  	s24 =	simm.s32 $0x15100  }
0x7e: {  	[tilespmem:s24], [sflag:$0x1] =	stream.indirect_vreg.gather [hbm4b:s5+s3], $0x80, v3, vm0, $0xb8;
	[tilespmem:$0x18100] =	vst v63  }
0x7f: {  	s24 =	simm.s32 $0x15900  }
0x80: {  	[tilespmem:s24], [sflag:$0x1] =	stream.indirect_vreg.gather [hbm4b:s6+s3], $0x80, v3, vm0, $0xb8;
	[tilespmem:$0x18100] =	vst v63  }
0x81: {  	s24 =	simm.s32 $0x16100  }
0x82: {  	[tilespmem:s24], [sflag:$0x1] =	stream.indirect_vreg.gather [hbm4b:s7+s3], $0x80, v3, vm0, $0xb8;
	[tilespmem:$0x18100] =	vst v63  }
0x83: {  	s24 =	simm.s32 $0x16900  }
0x84: {  	[tilespmem:s24], [sflag:$0x1] =	stream.indirect_vreg.gather [hbm4b:s8+s3], $0x80, v3, vm0, $0xb8;
	[tilespmem:$0x18100] =	vst v63  }
0x85: {  	s24 =	simm.s32 $0x17100  }
0x86: {  	[tilespmem:s24], [sflag:$0x1] =	stream.indirect_vreg.gather [hbm4b:s9+s3], $0x80, v3, vm0, $0xb8;
	[tilespmem:$0x18100] =	vst v63  }
0x87: {  	s24 =	simm.s32 $0x17900  }
0x88: {  	[tilespmem:s24], [sflag:$0x1] =	stream.indirect_vreg.gather [hbm4b:s10+s3], $0x80, v3, vm0, $0xb8;
	[tilespmem:$0x18100] =	vst v63  }
0x89: {  	_ =	swait.ge [sflag:s23], $0x18000  }
0x8a: {  	[sflag:s23] =	ssyncset.done $0x0  }
0x8b: {  	s24 =	rddreg [dreg:$0x5];
	[sflag:s23] =	ssyncadd.s32 $0xFFFE8000  }
0x8c: {  	[hbm4b:s24+s3] =	stream.linear.scatter [tilespmem:s0], [sflag:$0x2], $0x18000, $0x38;
	[tilespmem:$0x18100] =	vst v63  }
0x8d: {  	_ =	swait.ge [sflag:s12], $0x18000  }
0x8e: {  	[sflag:s12] =	ssyncset.done $0x0  }
0x8f: {  	[sflag:s12] =	ssyncadd.s32 $0xFFFE8000  }
0x90: {  	v3 =	vld [tilespmem:$0x30];
	_ =	sdelay $0x4  }
0x91: {  	v58 =	vshll.u32 v3, $0x4  }
0x92: {  	v3 =	vand.u32 $0x7, v3;
	v4 =	vand.u32 $0xFFFFFF80, v58  }
0x93: {  	v3 =	vor.u32 v3, v4  }
0x94: {  	v4 =	vperm.xlane v3, v0;
	_ =	sdelay $0x1  }
0x95: {  	v4 =	vadd.s32 v1, v4;
	_ =	sdelay $0x4  }
0x96: {  	[tilespmem:s0], [sflag:$0x1] =	stream.indirect_vreg.gather [hbm4b:s1+s3], $0x80, v4, vm0, $0xb8;
	[tilespmem:$0x18100] =	vst v63  }
0x97: {  	_ = 	snop  }
0x98: {  	[tilespmem:s25], [sflag:$0x1] =	stream.indirect_vreg.gather [hbm4b:s4+s3], $0x80, v4, vm0, $0xb8;
	[tilespmem:$0x18100] =	vst v63  }
0x99: {  	_ = 	snop  }
0x9a: {  	[tilespmem:s26], [sflag:$0x1] =	stream.indirect_vreg.gather [hbm4b:s5+s3], $0x80, v4, vm0, $0xb8;
	[tilespmem:$0x18100] =	vst v63  }
0x9b: {  	_ = 	snop  }
0x9c: {  	[tilespmem:s28], [sflag:$0x1] =	stream.indirect_vreg.gather [hbm4b:s6+s3], $0x80, v4, vm0, $0xb8;
	[tilespmem:$0x18100] =	vst v63  }
0x9d: {  	_ = 	snop  }
0x9e: {  	[tilespmem:s29], [sflag:$0x1] =	stream.indirect_vreg.gather [hbm4b:s7+s3], $0x80, v4, vm0, $0xb8;
	[tilespmem:$0x18100] =	vst v63  }
0x9f: {  	v3 =	vperm.xlane v3, v2  }
0xa0: {  	[tilespmem:s30], [sflag:$0x1] =	stream.indirect_vreg.gather [hbm4b:s8+s3], $0x80, v4, vm0, $0xb8;
	[tilespmem:$0x18100] =	vst v63  }
0xa1: {  	v3 =	vadd.s32 v1, v3  }
0xa2: {  	[tilespmem:s31], [sflag:$0x1] =	stream.indirect_vreg.gather [hbm4b:s9+s3], $0x80, v4, vm0, $0xb8;
	[tilespmem:$0x18100] =	vst v63  }
0xa3: {  	_ = 	snop  }
0xa4: {  	[tilespmem:s2], [sflag:$0x1] =	stream.indirect_vreg.gather [hbm4b:s10+s3], $0x80, v4, vm0, $0xb8;
	[tilespmem:$0x18100] =	vst v63  }
0xa5: {  	s24 =	simm.s32 $0x4100  }
0xa6: {  	[tilespmem:s24], [sflag:$0x1] =	stream.indirect_vreg.gather [hbm4b:s1+s3], $0x80, v3, vm0, $0xb8;
	[tilespmem:$0x18100] =	vst v63  }
0xa7: {  	_ = 	snop  }
0xa8: {  	[tilespmem:s14], [sflag:$0x1] =	stream.indirect_vreg.gather [hbm4b:s4+s3], $0x80, v3, vm0, $0xb8;
	[tilespmem:$0x18100] =	vst v63  }
0xa9: {  	_ = 	snop  }
0xaa: {  	[tilespmem:s15], [sflag:$0x1] =	stream.indirect_vreg.gather [hbm4b:s5+s3], $0x80, v3, vm0, $0xb8;
	[tilespmem:$0x18100] =	vst v63  }
0xab: {  	_ = 	snop  }
0xac: {  	[tilespmem:s16], [sflag:$0x1] =	stream.indirect_vreg.gather [hbm4b:s6+s3], $0x80, v3, vm0, $0xb8;
	[tilespmem:$0x18100] =	vst v63  }
0xad: {  	_ = 	snop  }
0xae: {  	[tilespmem:s17], [sflag:$0x1] =	stream.indirect_vreg.gather [hbm4b:s7+s3], $0x80, v3, vm0, $0xb8;
	[tilespmem:$0x18100] =	vst v63  }
0xaf: {  	_ = 	snop  }
0xb0: {  	[tilespmem:s18], [sflag:$0x1] =	stream.indirect_vreg.gather [hbm4b:s8+s3], $0x80, v3, vm0, $0xb8;
	[tilespmem:$0x18100] =	vst v63  }
0xb1: {  	_ = 	snop  }
0xb2: {  	[tilespmem:s19], [sflag:$0x1] =	stream.indirect_vreg.gather [hbm4b:s9+s3], $0x80, v3, vm0, $0xb8;
	[tilespmem:$0x18100] =	vst v63  }
0xb3: {  	_ = 	snop  }
0xb4: {  	[tilespmem:s20], [sflag:$0x1] =	stream.indirect_vreg.gather [hbm4b:s10+s3], $0x80, v3, vm0, $0xb8;
	[tilespmem:$0x18100] =	vst v63  }
0xb5: {  	v3 =	vld [tilespmem:$0x40];
	_ =	sdelay $0x4  }
0xb6: {  	v59 =	vshll.u32 v3, $0x4  }
0xb7: {  	v3 =	vand.u32 $0x7, v3;
	v4 =	vand.u32 $0xFFFFFF80, v59  }
0xb8: {  	v3 =	vor.u32 v3, v4  }
0xb9: {  	v4 =	vperm.xlane v3, v0;
	_ =	sdelay $0x1  }
0xba: {  	v4 =	vadd.s32 v1, v4;
	_ =	sdelay $0x4  }
0xbb: {  	[tilespmem:s21], [sflag:$0x1] =	stream.indirect_vreg.gather [hbm4b:s1+s3], $0x80, v4, vm0, $0xb8;
	[tilespmem:$0x18100] =	vst v63  }
0xbc: {  	_ = 	snop  }
0xbd: {  	[tilespmem:s22], [sflag:$0x1] =	stream.indirect_vreg.gather [hbm4b:s4+s3], $0x80, v4, vm0, $0xb8;
	[tilespmem:$0x18100] =	vst v63  }
0xbe: {  	_ = 	snop  }
0xbf: {  	[tilespmem:s13], [sflag:$0x1] =	stream.indirect_vreg.gather [hbm4b:s5+s3], $0x80, v4, vm0, $0xb8;
	[tilespmem:$0x18100] =	vst v63  }
0xc0: {  	s24 =	simm.s32 $0x9900  }
0xc1: {  	[tilespmem:s24], [sflag:$0x1] =	stream.indirect_vreg.gather [hbm4b:s6+s3], $0x80, v4, vm0, $0xb8;
	[tilespmem:$0x18100] =	vst v63  }
0xc2: {  	s24 =	simm.s32 $0xA100  }
0xc3: {  	[tilespmem:s24], [sflag:$0x1] =	stream.indirect_vreg.gather [hbm4b:s7+s3], $0x80, v4, vm0, $0xb8;
	[tilespmem:$0x18100] =	vst v63  }
0xc4: {  	v3 =	vperm.xlane v3, v2;
	s24 =	simm.s32 $0xA900  }
0xc5: {  	[tilespmem:s24], [sflag:$0x1] =	stream.indirect_vreg.gather [hbm4b:s8+s3], $0x80, v4, vm0, $0xb8;
	[tilespmem:$0x18100] =	vst v63  }
0xc6: {  	v3 =	vadd.s32 v1, v3;
	s24 =	simm.s32 $0xB100  }
0xc7: {  	[tilespmem:s24], [sflag:$0x1] =	stream.indirect_vreg.gather [hbm4b:s9+s3], $0x80, v4, vm0, $0xb8;
	[tilespmem:$0x18100] =	vst v63  }
0xc8: {  	s24 =	simm.s32 $0xB900  }
0xc9: {  	[tilespmem:s24], [sflag:$0x1] =	stream.indirect_vreg.gather [hbm4b:s10+s3], $0x80, v4, vm0, $0xb8;
	[tilespmem:$0x18100] =	vst v63  }
0xca: {  	s24 =	simm.s32 $0xC100  }
0xcb: {  	[tilespmem:s24], [sflag:$0x1] =	stream.indirect_vreg.gather [hbm4b:s1+s3], $0x80, v3, vm0, $0xb8;
	[tilespmem:$0x18100] =	vst v63  }
0xcc: {  	s24 =	simm.s32 $0xC900  }
0xcd: {  	[tilespmem:s24], [sflag:$0x1] =	stream.indirect_vreg.gather [hbm4b:s4+s3], $0x80, v3, vm0, $0xb8;
	[tilespmem:$0x18100] =	vst v63  }
0xce: {  	s24 =	simm.s32 $0xD100  }
0xcf: {  	[tilespmem:s24], [sflag:$0x1] =	stream.indirect_vreg.gather [hbm4b:s5+s3], $0x80, v3, vm0, $0xb8;
	[tilespmem:$0x18100] =	vst v63  }
0xd0: {  	s24 =	simm.s32 $0xD900  }
0xd1: {  	[tilespmem:s24], [sflag:$0x1] =	stream.indirect_vreg.gather [hbm4b:s6+s3], $0x80, v3, vm0, $0xb8;
	[tilespmem:$0x18100] =	vst v63  }
0xd2: {  	s24 =	simm.s32 $0xE100  }
0xd3: {  	[tilespmem:s24], [sflag:$0x1] =	stream.indirect_vreg.gather [hbm4b:s7+s3], $0x80, v3, vm0, $0xb8;
	[tilespmem:$0x18100] =	vst v63  }
0xd4: {  	s24 =	simm.s32 $0xE900  }
0xd5: {  	[tilespmem:s24], [sflag:$0x1] =	stream.indirect_vreg.gather [hbm4b:s8+s3], $0x80, v3, vm0, $0xb8;
	[tilespmem:$0x18100] =	vst v63  }
0xd6: {  	s24 =	simm.s32 $0xF100  }
0xd7: {  	[tilespmem:s24], [sflag:$0x1] =	stream.indirect_vreg.gather [hbm4b:s9+s3], $0x80, v3, vm0, $0xb8;
	[tilespmem:$0x18100] =	vst v63  }
0xd8: {  	s24 =	simm.s32 $0xF900  }
0xd9: {  	[tilespmem:s24], [sflag:$0x1] =	stream.indirect_vreg.gather [hbm4b:s10+s3], $0x80, v3, vm0, $0xb8;
	[tilespmem:$0x18100] =	vst v63  }
0xda: {  	v3 =	vld [tilespmem:$0x50];
	_ =	sdelay $0x4  }
0xdb: {  	v60 =	vshll.u32 v3, $0x4  }
0xdc: {  	v3 =	vand.u32 $0x7, v3;
	v4 =	vand.u32 $0xFFFFFF80, v60  }
0xdd: {  	v3 =	vor.u32 v3, v4  }
0xde: {  	v4 =	vperm.xlane v3, v0;
	_ =	sdelay $0x1  }
0xdf: {  	v4 =	vadd.s32 v1, v4;
	_ =	sdelay $0x3  }
0xe0: {  	s24 =	simm.s32 $0x10100  }
0xe1: {  	[tilespmem:s24], [sflag:$0x1] =	stream.indirect_vreg.gather [hbm4b:s1+s3], $0x80, v4, vm0, $0xb8;
	[tilespmem:$0x18100] =	vst v63  }
0xe2: {  	s24 =	simm.s32 $0x10900  }
0xe3: {  	[tilespmem:s24], [sflag:$0x1] =	stream.indirect_vreg.gather [hbm4b:s4+s3], $0x80, v4, vm0, $0xb8;
	[tilespmem:$0x18100] =	vst v63  }
0xe4: {  	s24 =	simm.s32 $0x11100  }
0xe5: {  	[tilespmem:s24], [sflag:$0x1] =	stream.indirect_vreg.gather [hbm4b:s5+s3], $0x80, v4, vm0, $0xb8;
	[tilespmem:$0x18100] =	vst v63  }
0xe6: {  	s24 =	simm.s32 $0x11900  }
0xe7: {  	[tilespmem:s24], [sflag:$0x1] =	stream.indirect_vreg.gather [hbm4b:s6+s3], $0x80, v4, vm0, $0xb8;
	[tilespmem:$0x18100] =	vst v63  }
0xe8: {  	s24 =	simm.s32 $0x12100  }
0xe9: {  	[tilespmem:s24], [sflag:$0x1] =	stream.indirect_vreg.gather [hbm4b:s7+s3], $0x80, v4, vm0, $0xb8;
	[tilespmem:$0x18100] =	vst v63  }
0xea: {  	v3 =	vperm.xlane v3, v2;
	s24 =	simm.s32 $0x12900  }
0xeb: {  	[tilespmem:s24], [sflag:$0x1] =	stream.indirect_vreg.gather [hbm4b:s8+s3], $0x80, v4, vm0, $0xb8;
	[tilespmem:$0x18100] =	vst v63  }
0xec: {  	v3 =	vadd.s32 v1, v3;
	s24 =	simm.s32 $0x13100  }
0xed: {  	[tilespmem:s24], [sflag:$0x1] =	stream.indirect_vreg.gather [hbm4b:s9+s3], $0x80, v4, vm0, $0xb8;
	[tilespmem:$0x18100] =	vst v63  }
0xee: {  	s24 =	simm.s32 $0x13900  }
0xef: {  	[tilespmem:s24], [sflag:$0x1] =	stream.indirect_vreg.gather [hbm4b:s10+s3], $0x80, v4, vm0, $0xb8;
	[tilespmem:$0x18100] =	vst v63  }
0xf0: {  	s24 =	simm.s32 $0x14100  }
0xf1: {  	[tilespmem:s24], [sflag:$0x1] =	stream.indirect_vreg.gather [hbm4b:s1+s3], $0x80, v3, vm0, $0xb8;
	[tilespmem:$0x18100] =	vst v63  }
0xf2: {  	s24 =	simm.s32 $0x14900  }
0xf3: {  	[tilespmem:s24], [sflag:$0x1] =	stream.indirect_vreg.gather [hbm4b:s4+s3], $0x80, v3, vm0, $0xb8;
	[tilespmem:$0x18100] =	vst v63  }
0xf4: {  	s24 =	simm.s32 $0x15100  }
0xf5: {  	[tilespmem:s24], [sflag:$0x1] =	stream.indirect_vreg.gather [hbm4b:s5+s3], $0x80, v3, vm0, $0xb8;
	[tilespmem:$0x18100] =	vst v63  }
0xf6: {  	s24 =	simm.s32 $0x15900  }
0xf7: {  	[tilespmem:s24], [sflag:$0x1] =	stream.indirect_vreg.gather [hbm4b:s6+s3], $0x80, v3, vm0, $0xb8;
	[tilespmem:$0x18100] =	vst v63  }
0xf8: {  	s24 =	simm.s32 $0x16100  }
0xf9: {  	[tilespmem:s24], [sflag:$0x1] =	stream.indirect_vreg.gather [hbm4b:s7+s3], $0x80, v3, vm0, $0xb8;
	[tilespmem:$0x18100] =	vst v63  }
0xfa: {  	s24 =	simm.s32 $0x16900  }
0xfb: {  	[tilespmem:s24], [sflag:$0x1] =	stream.indirect_vreg.gather [hbm4b:s8+s3], $0x80, v3, vm0, $0xb8;
	[tilespmem:$0x18100] =	vst v63  }
0xfc: {  	s24 =	simm.s32 $0x17100  }
0xfd: {  	[tilespmem:s24], [sflag:$0x1] =	stream.indirect_vreg.gather [hbm4b:s9+s3], $0x80, v3, vm0, $0xb8;
	[tilespmem:$0x18100] =	vst v63  }
0xfe: {  	s24 =	simm.s32 $0x17900  }
0xff: {  	[tilespmem:s24], [sflag:$0x1] =	stream.indirect_vreg.gather [hbm4b:s10+s3], $0x80, v3, vm0, $0xb8;
	[tilespmem:$0x18100] =	vst v63  }
0x100: {  	_ =	swait.ge [sflag:s23], $0x18000  }
0x101: {  	[sflag:s23] =	ssyncset.done $0x0  }
0x102: {  	s24 =	rddreg [dreg:$0x6];
	[sflag:s23] =	ssyncadd.s32 $0xFFFE8000  }
0x103: {  	[hbm4b:s24+s3] =	stream.linear.scatter [tilespmem:s0], [sflag:$0x2], $0x18000, $0x38;
	[tilespmem:$0x18100] =	vst v63  }
0x104: {  	_ =	swait.ge [sflag:s12], $0x18000  }
0x105: {  	[sflag:s12] =	ssyncset.done $0x0  }
0x106: {  	[sflag:s12] =	ssyncadd.s32 $0xFFFE8000  }
0x107: {  	v3 =	vld [tilespmem:$0x60];
	_ =	sdelay $0x4  }
0x108: {  	v61 =	vshll.u32 v3, $0x4  }
0x109: {  	v3 =	vand.u32 $0x7, v3;
	v4 =	vand.u32 $0xFFFFFF80, v61  }
0x10a: {  	v3 =	vor.u32 v3, v4  }
0x10b: {  	v4 =	vperm.xlane v3, v0;
	_ =	sdelay $0x1  }
0x10c: {  	v4 =	vadd.s32 v1, v4;
	_ =	sdelay $0x4  }
0x10d: {  	[tilespmem:s0], [sflag:$0x1] =	stream.indirect_vreg.gather [hbm4b:s1+s3], $0x80, v4, vm0, $0xb8;
	[tilespmem:$0x18100] =	vst v63  }
0x10e: {  	_ = 	snop  }
0x10f: {  	[tilespmem:s25], [sflag:$0x1] =	stream.indirect_vreg.gather [hbm4b:s4+s3], $0x80, v4, vm0, $0xb8;
	[tilespmem:$0x18100] =	vst v63  }
0x110: {  	_ = 	snop  }
0x111: {  	[tilespmem:s26], [sflag:$0x1] =	stream.indirect_vreg.gather [hbm4b:s5+s3], $0x80, v4, vm0, $0xb8;
	[tilespmem:$0x18100] =	vst v63  }
0x112: {  	_ = 	snop  }
0x113: {  	[tilespmem:s28], [sflag:$0x1] =	stream.indirect_vreg.gather [hbm4b:s6+s3], $0x80, v4, vm0, $0xb8;
	[tilespmem:$0x18100] =	vst v63  }
0x114: {  	_ = 	snop  }
0x115: {  	[tilespmem:s29], [sflag:$0x1] =	stream.indirect_vreg.gather [hbm4b:s7+s3], $0x80, v4, vm0, $0xb8;
	[tilespmem:$0x18100] =	vst v63  }
0x116: {  	v3 =	vperm.xlane v3, v2  }
0x117: {  	[tilespmem:s30], [sflag:$0x1] =	stream.indirect_vreg.gather [hbm4b:s8+s3], $0x80, v4, vm0, $0xb8;
	[tilespmem:$0x18100] =	vst v63  }
0x118: {  	v3 =	vadd.s32 v1, v3  }
0x119: {  	[tilespmem:s31], [sflag:$0x1] =	stream.indirect_vreg.gather [hbm4b:s9+s3], $0x80, v4, vm0, $0xb8;
	[tilespmem:$0x18100] =	vst v63  }
0x11a: {  	_ = 	snop  }
0x11b: {  	[tilespmem:s2], [sflag:$0x1] =	stream.indirect_vreg.gather [hbm4b:s10+s3], $0x80, v4, vm0, $0xb8;
	[tilespmem:$0x18100] =	vst v63  }
0x11c: {  	s24 =	simm.s32 $0x4100  }
0x11d: {  	[tilespmem:s24], [sflag:$0x1] =	stream.indirect_vreg.gather [hbm4b:s1+s3], $0x80, v3, vm0, $0xb8;
	[tilespmem:$0x18100] =	vst v63  }
0x11e: {  	_ = 	snop  }
0x11f: {  	[tilespmem:s14], [sflag:$0x1] =	stream.indirect_vreg.gather [hbm4b:s4+s3], $0x80, v3, vm0, $0xb8;
	[tilespmem:$0x18100] =	vst v63  }
0x120: {  	_ = 	snop  }
0x121: {  	[tilespmem:s15], [sflag:$0x1] =	stream.indirect_vreg.gather [hbm4b:s5+s3], $0x80, v3, vm0, $0xb8;
	[tilespmem:$0x18100] =	vst v63  }
0x122: {  	_ = 	snop  }
0x123: {  	[tilespmem:s16], [sflag:$0x1] =	stream.indirect_vreg.gather [hbm4b:s6+s3], $0x80, v3, vm0, $0xb8;
	[tilespmem:$0x18100] =	vst v63  }
0x124: {  	_ = 	snop  }
0x125: {  	[tilespmem:s17], [sflag:$0x1] =	stream.indirect_vreg.gather [hbm4b:s7+s3], $0x80, v3, vm0, $0xb8;
	[tilespmem:$0x18100] =	vst v63  }
0x126: {  	_ = 	snop  }
0x127: {  	[tilespmem:s18], [sflag:$0x1] =	stream.indirect_vreg.gather [hbm4b:s8+s3], $0x80, v3, vm0, $0xb8;
	[tilespmem:$0x18100] =	vst v63  }
0x128: {  	_ = 	snop  }
0x129: {  	[tilespmem:s19], [sflag:$0x1] =	stream.indirect_vreg.gather [hbm4b:s9+s3], $0x80, v3, vm0, $0xb8;
	[tilespmem:$0x18100] =	vst v63  }
0x12a: {  	_ = 	snop  }
0x12b: {  	[tilespmem:s20], [sflag:$0x1] =	stream.indirect_vreg.gather [hbm4b:s10+s3], $0x80, v3, vm0, $0xb8;
	[tilespmem:$0x18100] =	vst v63  }
0x12c: {  	v3 =	vld [tilespmem:$0x70];
	_ =	sdelay $0x4  }
0x12d: {  	v62 =	vshll.u32 v3, $0x4  }
0x12e: {  	v3 =	vand.u32 $0x7, v3;
	v4 =	vand.u32 $0xFFFFFF80, v62  }
0x12f: {  	v3 =	vor.u32 v3, v4  }
0x130: {  	v4 =	vperm.xlane v3, v0;
	_ =	sdelay $0x1  }
0x131: {  	v4 =	vadd.s32 v1, v4;
	_ =	sdelay $0x4  }
0x132: {  	[tilespmem:s21], [sflag:$0x1] =	stream.indirect_vreg.gather [hbm4b:s1+s3], $0x80, v4, vm0, $0xb8;
	[tilespmem:$0x18100] =	vst v63  }
0x133: {  	_ = 	snop  }
0x134: {  	[tilespmem:s22], [sflag:$0x1] =	stream.indirect_vreg.gather [hbm4b:s4+s3], $0x80, v4, vm0, $0xb8;
	[tilespmem:$0x18100] =	vst v63  }
0x135: {  	_ = 	snop  }
0x136: {  	[tilespmem:s13], [sflag:$0x1] =	stream.indirect_vreg.gather [hbm4b:s5+s3], $0x80, v4, vm0, $0xb8;
	[tilespmem:$0x18100] =	vst v63  }
0x137: {  	s24 =	simm.s32 $0x9900  }
0x138: {  	[tilespmem:s24], [sflag:$0x1] =	stream.indirect_vreg.gather [hbm4b:s6+s3], $0x80, v4, vm0, $0xb8;
	[tilespmem:$0x18100] =	vst v63  }
0x139: {  	s13 =	simm.s32 $0xA100  }
0x13a: {  	[tilespmem:s13], [sflag:$0x1] =	stream.indirect_vreg.gather [hbm4b:s7+s3], $0x80, v4, vm0, $0xb8;
	[tilespmem:$0x18100] =	vst v63  }
0x13b: {  	v3 =	vperm.xlane v3, v2;
	s24 =	simm.s32 $0xA900  }
0x13c: {  	[tilespmem:s24], [sflag:$0x1] =	stream.indirect_vreg.gather [hbm4b:s8+s3], $0x80, v4, vm0, $0xb8;
	[tilespmem:$0x18100] =	vst v63  }
0x13d: {  	v3 =	vadd.s32 v1, v3;
	s13 =	simm.s32 $0xB100  }
0x13e: {  	[tilespmem:s13], [sflag:$0x1] =	stream.indirect_vreg.gather [hbm4b:s9+s3], $0x80, v4, vm0, $0xb8;
	[tilespmem:$0x18100] =	vst v63  }
0x13f: {  	s24 =	simm.s32 $0xB900  }
0x140: {  	[tilespmem:s24], [sflag:$0x1] =	stream.indirect_vreg.gather [hbm4b:s10+s3], $0x80, v4, vm0, $0xb8;
	[tilespmem:$0x18100] =	vst v63  }
0x141: {  	s13 =	simm.s32 $0xC100  }
0x142: {  	[tilespmem:s13], [sflag:$0x1] =	stream.indirect_vreg.gather [hbm4b:s1+s3], $0x80, v3, vm0, $0xb8;
	[tilespmem:$0x18100] =	vst v63  }
0x143: {  	s24 =	simm.s32 $0xC900  }
0x144: {  	[tilespmem:s24], [sflag:$0x1] =	stream.indirect_vreg.gather [hbm4b:s4+s3], $0x80, v3, vm0, $0xb8;
	[tilespmem:$0x18100] =	vst v63  }
0x145: {  	s13 =	simm.s32 $0xD100  }
0x146: {  	[tilespmem:s13], [sflag:$0x1] =	stream.indirect_vreg.gather [hbm4b:s5+s3], $0x80, v3, vm0, $0xb8;
	[tilespmem:$0x18100] =	vst v63  }
0x147: {  	s24 =	simm.s32 $0xD900  }
0x148: {  	[tilespmem:s24], [sflag:$0x1] =	stream.indirect_vreg.gather [hbm4b:s6+s3], $0x80, v3, vm0, $0xb8;
	[tilespmem:$0x18100] =	vst v63  }
0x149: {  	s13 =	simm.s32 $0xE100  }
0x14a: {  	[tilespmem:s13], [sflag:$0x1] =	stream.indirect_vreg.gather [hbm4b:s7+s3], $0x80, v3, vm0, $0xb8;
	[tilespmem:$0x18100] =	vst v63  }
0x14b: {  	s24 =	simm.s32 $0xE900  }
0x14c: {  	[tilespmem:s24], [sflag:$0x1] =	stream.indirect_vreg.gather [hbm4b:s8+s3], $0x80, v3, vm0, $0xb8;
	[tilespmem:$0x18100] =	vst v63  }
0x14d: {  	s13 =	simm.s32 $0xF100  }
0x14e: {  	[tilespmem:s13], [sflag:$0x1] =	stream.indirect_vreg.gather [hbm4b:s9+s3], $0x80, v3, vm0, $0xb8;
	[tilespmem:$0x18100] =	vst v63  }
0x14f: {  	s24 =	simm.s32 $0xF900  }
0x150: {  	[tilespmem:s24], [sflag:$0x1] =	stream.indirect_vreg.gather [hbm4b:s10+s3], $0x80, v3, vm0, $0xb8;
	[tilespmem:$0x18100] =	vst v63  }
0x151: {  	v3 =	vld [tilespmem:$0x80];
	_ =	sdelay $0x4  }
0x152: {  	v63 =	vshll.u32 v3, $0x4  }
0x153: {  	v3 =	vand.u32 $0x7, v3;
	v4 =	vand.u32 $0xFFFFFF80, v63  }
0x154: {  	v3 =	vor.u32 v3, v4  }
0x155: {  	v4 =	vperm.xlane v3, v0;
	_ =	sdelay $0x1  }
0x156: {  	v4 =	vadd.s32 v1, v4;
	_ =	sdelay $0x3  }
0x157: {  	s13 =	simm.s32 $0x10100  }
0x158: {  	[tilespmem:s13], [sflag:$0x1] =	stream.indirect_vreg.gather [hbm4b:s1+s3], $0x80, v4, vm0, $0xb8;
	[tilespmem:$0x18100] =	vst v63  }
0x159: {  	s24 =	simm.s32 $0x10900  }
0x15a: {  	[tilespmem:s24], [sflag:$0x1] =	stream.indirect_vreg.gather [hbm4b:s4+s3], $0x80, v4, vm0, $0xb8;
	[tilespmem:$0x18100] =	vst v63  }
0x15b: {  	s13 =	simm.s32 $0x11100  }
0x15c: {  	[tilespmem:s13], [sflag:$0x1] =	stream.indirect_vreg.gather [hbm4b:s5+s3], $0x80, v4, vm0, $0xb8;
	[tilespmem:$0x18100] =	vst v63  }
0x15d: {  	s24 =	simm.s32 $0x11900  }
0x15e: {  	[tilespmem:s24], [sflag:$0x1] =	stream.indirect_vreg.gather [hbm4b:s6+s3], $0x80, v4, vm0, $0xb8;
	[tilespmem:$0x18100] =	vst v63  }
0x15f: {  	s13 =	simm.s32 $0x12100  }
0x160: {  	[tilespmem:s13], [sflag:$0x1] =	stream.indirect_vreg.gather [hbm4b:s7+s3], $0x80, v4, vm0, $0xb8;
	[tilespmem:$0x18100] =	vst v63  }
0x161: {  	v3 =	vperm.xlane v3, v2;
	s24 =	simm.s32 $0x12900  }
0x162: {  	[tilespmem:s24], [sflag:$0x1] =	stream.indirect_vreg.gather [hbm4b:s8+s3], $0x80, v4, vm0, $0xb8;
	[tilespmem:$0x18100] =	vst v63  }
0x163: {  	v3 =	vadd.s32 v1, v3;
	s13 =	simm.s32 $0x13100  }
0x164: {  	[tilespmem:s13], [sflag:$0x1] =	stream.indirect_vreg.gather [hbm4b:s9+s3], $0x80, v4, vm0, $0xb8;
	[tilespmem:$0x18100] =	vst v63  }
0x165: {  	s24 =	simm.s32 $0x13900  }
0x166: {  	[tilespmem:s24], [sflag:$0x1] =	stream.indirect_vreg.gather [hbm4b:s10+s3], $0x80, v4, vm0, $0xb8;
	[tilespmem:$0x18100] =	vst v63  }
0x167: {  	s13 =	simm.s32 $0x14100  }
0x168: {  	[tilespmem:s13], [sflag:$0x1] =	stream.indirect_vreg.gather [hbm4b:s1+s3], $0x80, v3, vm0, $0xb8;
	[tilespmem:$0x18100] =	vst v63  }
0x169: {  	s24 =	simm.s32 $0x14900  }
0x16a: {  	[tilespmem:s24], [sflag:$0x1] =	stream.indirect_vreg.gather [hbm4b:s4+s3], $0x80, v3, vm0, $0xb8;
	[tilespmem:$0x18100] =	vst v63  }
0x16b: {  	s13 =	simm.s32 $0x15100  }
0x16c: {  	[tilespmem:s13], [sflag:$0x1] =	stream.indirect_vreg.gather [hbm4b:s5+s3], $0x80, v3, vm0, $0xb8;
	[tilespmem:$0x18100] =	vst v63  }
0x16d: {  	s24 =	simm.s32 $0x15900  }
0x16e: {  	[tilespmem:s24], [sflag:$0x1] =	stream.indirect_vreg.gather [hbm4b:s6+s3], $0x80, v3, vm0, $0xb8;
	[tilespmem:$0x18100] =	vst v63  }
0x16f: {  	s13 =	simm.s32 $0x16100  }
0x170: {  	[tilespmem:s13], [sflag:$0x1] =	stream.indirect_vreg.gather [hbm4b:s7+s3], $0x80, v3, vm0, $0xb8;
	[tilespmem:$0x18100] =	vst v63  }
0x171: {  	s24 =	simm.s32 $0x16900  }
0x172: {  	[tilespmem:s24], [sflag:$0x1] =	stream.indirect_vreg.gather [hbm4b:s8+s3], $0x80, v3, vm0, $0xb8;
	[tilespmem:$0x18100] =	vst v63  }
0x173: {  	s13 =	simm.s32 $0x17100  }
0x174: {  	[tilespmem:s13], [sflag:$0x1] =	stream.indirect_vreg.gather [hbm4b:s9+s3], $0x80, v3, vm0, $0xb8;
	[tilespmem:$0x18100] =	vst v63  }
0x175: {  	s24 =	simm.s32 $0x17900  }
0x176: {  	[tilespmem:s24], [sflag:$0x1] =	stream.indirect_vreg.gather [hbm4b:s10+s3], $0x80, v3, vm0, $0xb8;
	[tilespmem:$0x18100] =	vst v63  }
0x177: {  	_ =	swait.ge [sflag:s23], $0x18000  }
0x178: {  	p0 =	sne.s32 s11, $0x1;
	[sflag:s23] =	ssyncset.done $0x0  }
.Ltmp0:
0x179: {  	s13 =	rddreg [dreg:$0x7];
	[sflag:s23] =	ssyncadd.s32 $0xFFFE8000;
	(pc) =	sbr.rel @p0 .LBB2_1-.Ltmp0, $4  }
0x17a: {  	[hbm4b:s13+s3] =	stream.linear.scatter [tilespmem:s0], [sflag:$0x2], $0x18000, $0x38;
	[tilespmem:$0x18100] =	vst v63  }
0x17b: {  	_ =	swait.ge [sflag:s12], $0x18000  }
0x17c: {  	[sflag:s12] =	ssyncset.done $0x0  }
0x17d: {  	s11 =	sadd.s32 $0xFFFFFFFF, s11;
	[sflag:s12] =	ssyncadd.s32 $0xFFFE8000  }
0x17e: {  	_ =	sfence.sel $0x180000  }
0x17f: {  	[bflag:$0x0] =	sbarrier.arrive $0xFFFF  }
0x180: {  	_ =	strace $0x9000004D  }
0x181: {  	s0 =	stileid.u32;
	[bflag:$0x2] =	sbarrier.arrive $0xFFFF  }
0x182: {  	p0 =	sne.s32 s0, $0x0;
	s0 =	rddreg [dreg:$0x3]  }
0x183: {  	s0 =	sadd.s32 @!p0 $0x100000, s0  }
0x184: {  	[sflag:s0] =	ssyncadd.tile.s32 @!p0 $0x1;
	_ =	shalt  }
.Lfunc_end2:
_tile_overlayer_lowered:
.L_overlay_start_2:
0x185: {  	(tag) =	ssettag $0x2  }
0x186: {  	s0 =	rddreg [dreg:$0x0];
	s2 =	stileid.u32  }
0x187: {  	s1 =	rddreg [dreg:$0x1];
	p0 =	sne.s32 s2, $0x0  }
0x188: {  	s3 =	rddreg [dreg:$0x2];
	[bflag:$0x3] =	sbarrier.arrive $0xFFFF;
	s2 =	simm.s32 @!p0 $0x1C02  }
0x189: {  	[timem:s3], [sflag:s2] =	dma.local @!p0 [hbm:s0], s1  }
0x18a: {  	s0 =	simm.s32 @!p0 $0x2  }
0x18b: {  	_ =	swait.ge @!p0 [sflag:s0], s1  }
0x18c: {  	s1 =	ssub.s32 @!p0 $0x0, s1;
	[sflag:s0] =	ssyncset.done @!p0 $0x0  }
0x18d: {  	[sflag:s0] =	ssyncadd.s32 @!p0 s1  }
0x18e: {  	[bflag:$0x3] =	sbarrier.arrive $0xFFFF  }
0x18f: {  	_ =	shalt  }

// kernel: kernel.9.cloned.1.call-start
scs
__scs_entry_jumppad:
0x0: {  	(pc) =	sbr.rel $0x88, $3  }
0x1: {  	(tag) =	ssettag $0x0;
	lr =	simm.s32 $0x1  }
0x2: {  	[smem:$0x3F93] =	sst lr;
	_ =	strace $0xD0000000  }
0x3: {  	_ = 	snop  }
0x4: {  	_ = 	snop  }
0x5: {  	_ = 	snop  }
0x6: {  	_ = 	snop  }
0x7: {  	_ = 	snop  }
__scs_overlays_trampoline_lowered:
0x8: {  	[smem:$0x3FA2] =	sst s0  }
0x9: {  	[smem:$0x3FA3] =	sst s1  }
0xa: {  	[smem:$0x3FA4] =	sst s2  }
0xb: {  	[smem:$0x3FA5] =	sst s3  }
0xc: {  	[smem:$0x3FA6] =	sst s4  }
0xd: {  	[smem:$0x3FA7] =	sst s5  }
0xe: {  	[smem:$0x3FA8] =	sst s6  }
0xf: {  	[smem:$0x3FA9] =	sst s7  }
0x10: {  	[smem:$0x3FAA] =	sst s8  }
0x11: {  	[smem:$0x3FAB] =	sst s9;
	s0 =	simm.s32 @!p0 $0x0  }
0x12: {  	s1 =	sld [smem:$0x3F91];
	s0 =	simm.s32 @p0 $0x1  }
0x13: {  	[smem:$0x3FAC] =	sst s0;
	s0 =	simm.s32 @!p1 $0x0  }
0x14: {  	s2 =	sld [smem:$0x3F90];
	s0 =	simm.s32 @p1 $0x1  }
0x15: {  	[smem:$0x3FAD] =	sst s0;
	s0 =	simm.s32 @!p2 $0x0  }
0x16: {  	s3 =	sld [smem:$0x3FDB];
	s0 =	simm.s32 @p2 $0x1  }
0x17: {  	s4 =	simm.s32 $0x1BF5;
	[smem:$0x3FAF] =	sst s0  }
0x18: {  	s0 =	sld [smem:$0x3F92];
	_ =	swait.ge [sflag:s4], $0x0  }
0x19: {  	s7 =	sld [smem:$0x3F93]  }
0x1a: {  	s8 =	sadd.s32 $0xFFFFE003, lr  }
0x1b: {  	s9 =	sadd.s32 $0xFFFFFEF7, lr;
	s5 =	simm.s32 $0xFFFFFFFF;
	p2 =	slt.u32 s8, $0xFFFFF086  }
0x1c: {  	p1 =	slt.u32 s9, $0xF7A;
	s5 =	simm.s32 @!p2 $0x0  }
0x1d: {  	s5 =	simm.s32 @p1 $0x1;
	p0 =	seq.s32 s7, s2  }
0x1e: {  	s7 =	smul.u32 @!p0 $0xF7A, s2;
	p2 =	seq.s32 @!p0 s5, $0x0  }
0x1f: {  	s9 =	smul.u32 $0xF7A, s1;
	s8 =	simm.s32 @!p0 $0x1BF5;
	p2 =	por !p2, p0  }
0x20: {  	[sflag:s8] =	ssyncset.s32 @!p0 $0xFFFFF086;
	s6 =	sadd.s32 @!p0 s3, s7;
	s7 =	simm.s32 @!p0 $0x108  }
0x21: {  	s3 =	sadd.s32 s3, s9;
	s6 =	sadd.s32 @!p0 $0x88, s6;
	s7 =	simm.s32 @p2 $0x1082  }
0x22: {  	[simem:s7], [sflag:s8] =	dma.local @!p0 [hbm:s6], $0xF7A  }
0x23: {  	s9 =	sor.u32 $0xD0000000, s2;
	s6 =	simm.s32 $0x108;
	_ =	swait.ge @!p0 [sflag:s8], $0x0  }
0x24: {  	s3 =	sadd.s32 $0x88, s3;
	s6 =	simm.s32 @!p1 $0x1082;
	[sflag:s4] =	ssyncset.s32 $0xFFFFF086  }
0x25: {  	[simem:s6], [sflag:s4] =	dma.local [hbm:s3], $0xF7A  }
0x26: {  	[smem:$0x3F93] =	sst s1;
	(tag) =	ssettag s2;
	_ =	strace s9  }
0x27: {  	s1 =	sld [smem:$0x3FA3]  }
0x28: {  	s2 =	sld [smem:$0x3FA4]  }
0x29: {  	s4 =	sld [smem:$0x3FA6]  }
0x2a: {  	p0 =	seq.s32 s5, $0x0;
	s5 =	sld [smem:$0x3FA7]  }
0x2b: {  	s6 =	sld [smem:$0x3FA8]  }
0x2c: {  	s7 =	sld [smem:$0x3FA9]  }
0x2d: {  	s3 =	simm.s32 $0x108;
	s8 =	sld [smem:$0x3FAA]  }
0x2e: {  	s3 =	simm.s32 @!p0 $0x1082;
	s9 =	sld [smem:$0x3FAB]  }
0x2f: {  	lr =	sadd.s32 s0, s3;
	s0 =	sld [smem:$0x3FA2]  }
0x30: {  	s3 =	sld [smem:$0x3FA5]  }
0x31: {  	[smem:$0x3FAE] =	sst s10  }
0x32: {  	s10 =	sld [smem:$0x3FAC];
	_ =	sdelay $0x3  }
0x33: {  	p0 =	seq.s32 s10, $0x1;
	s10 =	sld [smem:$0x3FAE];
	_ =	sdelay $0x3  }
0x34: {  	[smem:$0x3FAE] =	sst s10  }
0x35: {  	s10 =	sld [smem:$0x3FAD];
	_ =	sdelay $0x3  }
0x36: {  	p1 =	seq.s32 s10, $0x1;
	s10 =	sld [smem:$0x3FAE];
	_ =	sdelay $0x3  }
0x37: {  	[smem:$0x3FAE] =	sst s10  }
0x38: {  	s10 =	sld [smem:$0x3FAF]  }
0x39: {  	_ = 	snop;
	(pc) =	sbr.ind lr, $3  }
0x3a: {  	_ = 	snop  }
0x3b: {  	_ = 	snop  }
0x3c: {  	p2 =	seq.s32 s10, $0x1;
	s10 =	sld [smem:$0x3FAE]  }
0x3d: {  	_ =	shalt  }
0x3e: {  	_ =	shalt  }
0x3f: {  	_ =	shalt  }
0x40: {  	_ =	shalt  }
0x41: {  	_ =	shalt  }
0x42: {  	_ =	shalt  }
0x43: {  	_ =	shalt  }
0x44: {  	_ =	shalt  }
0x45: {  	_ =	shalt  }
0x46: {  	_ =	shalt  }
0x47: {  	_ =	shalt  }
0x48: {  	_ =	shalt  }
0x49: {  	_ =	shalt  }
0x4a: {  	_ =	shalt  }
0x4b: {  	_ =	shalt  }
0x4c: {  	_ =	shalt  }
0x4d: {  	_ =	shalt  }
0x4e: {  	_ =	shalt  }
0x4f: {  	_ =	shalt  }
0x50: {  	_ =	shalt  }
0x51: {  	_ =	shalt  }
0x52: {  	_ =	shalt  }
0x53: {  	_ =	shalt  }
0x54: {  	_ =	shalt  }
0x55: {  	_ =	shalt  }
0x56: {  	_ =	shalt  }
0x57: {  	_ =	shalt  }
0x58: {  	_ =	shalt  }
0x59: {  	_ =	shalt  }
0x5a: {  	_ =	shalt  }
0x5b: {  	_ =	shalt  }
0x5c: {  	_ =	shalt  }
0x5d: {  	_ =	shalt  }
0x5e: {  	_ =	shalt  }
0x5f: {  	_ =	shalt  }
0x60: {  	_ =	shalt  }
0x61: {  	_ =	shalt  }
0x62: {  	_ =	shalt  }
0x63: {  	_ =	shalt  }
0x64: {  	_ =	shalt  }
0x65: {  	_ =	shalt  }
0x66: {  	_ =	shalt  }
0x67: {  	_ =	shalt  }
0x68: {  	_ =	shalt  }
0x69: {  	_ =	shalt  }
0x6a: {  	_ =	shalt  }
0x6b: {  	_ =	shalt  }
0x6c: {  	_ =	shalt  }
0x6d: {  	_ =	shalt  }
0x6e: {  	_ =	shalt  }
0x6f: {  	_ =	shalt  }
0x70: {  	_ =	shalt  }
0x71: {  	_ =	shalt  }
0x72: {  	_ =	shalt  }
0x73: {  	_ =	shalt  }
0x74: {  	_ =	shalt  }
0x75: {  	_ =	shalt  }
0x76: {  	_ =	shalt  }
0x77: {  	_ =	shalt  }
0x78: {  	_ =	shalt  }
0x79: {  	_ =	shalt  }
0x7a: {  	_ =	shalt  }
0x7b: {  	_ =	shalt  }
0x7c: {  	_ =	shalt  }
0x7d: {  	_ =	shalt  }
0x7e: {  	_ =	shalt  }
0x7f: {  	_ =	shalt  }
0x80: {  	_ =	shalt  }
0x81: {  	_ =	shalt  }
0x82: {  	_ =	shalt  }
0x83: {  	_ =	shalt  }
0x84: {  	_ =	shalt  }
0x85: {  	_ =	shalt  }
0x86: {  	_ =	shalt  }
0x87: {  	_ =	shalt  }
.Lfunc_end0:
.L_simem_size_0:
called_computation.3_lowered:
.L_overlay_start_0:
0x88: {  	s2 =	sld [smem:$0x3FD9]  }
0x89: {  	s3 =	sld [smem:$0x3FFE];
	_ =	sdelay $0x1  }
0x8a: {  	s1 =	srdreg.scid  }
0x8b: {  	s0 =	sand.u32 $0x1, s1  }
0x8c: {  	s17 =	sshll.u32 s0, $0xA;
	s2 =	sadd.s32 s3, s2  }
0x8d: {  	s2 =	sadd.s32 s2, s17  }
0x8e: {  	[smem:$0x3FBA] =	sst s2  }
0x8f: {  	_ = 	snop  }
0x90: {  	s2 =	sld [smem:$0x3FD0];
	(tm) =	ssettm $0x1  }
0x91: {  	s18 =	sld [smem:$0x3FFB];
	_ =	sdelay $0x3  }
0x92: {  	_ =	strace s18  }
0x93: {  	s3 =	sld [smem:$0x3FFC];
	_ =	sdelay $0x3  }
0x94: {  	_ =	strace s3  }
0x95: {  	s3 =	sld [smem:$0x3FFD];
	_ =	sdelay $0x3  }
0x96: {  	_ =	strace s3  }
0x97: {  	_ =	strace $0x8FFFFFFF  }
0x98: {  	s19 =	sld [smem:$0x3FDB];
	_ =	sdelay $0x1  }
0x99: {  	s4 =	simm.s32 $_scs_section_size  }
0x9a: {  	s5 =	simm.s32 $_size__tile_overlayer_lowered;
	s6 =	simm.s32 $_tile_overlayer_lowered  }
0x9b: {  	s22 =	simm.s32 $0x1BFF;
	s21 =	sshll.u32 s6, $0x1;
	s3 =	sadd.s32 s4, s19  }
0x9c: {  	s7 =	simm.s32 $0x0;
	s20 =	sshll.u32 s5, $0x1;
	s5 =	sadd.s32 s21, s3  }
0x9d: {  	[timem:s7], [sflag:s22] =	dma.local [hbm:s5], s20  }
0x9e: {  	_ =	swait.ge [sflag:s22], s20  }
0x9f: {  	s4 =	ssub.s32 $0x0, s20;
	[sflag:s22] =	ssyncset.done $0x0  }
0xa0: {  	[sflag:s22] =	ssyncadd.s32 s4;
	_ =	sdelay $0x1  }
0xa1: {  	s23 =	simm.s32 $0x1B8B  }
0xa2: {  	_ =	swait.ge [sflag:s23], $0x1  }
0xa3: {  	[sflag:s23] =	ssyncset.done $0x0  }
0xa4: {  	s25 =	simm.s32 $0x1B8E;
	s24 =	sld [smem:$0x3FFE];
	[sflag:s23] =	ssyncadd.s32 $0xFFFFFFFF  }
0xa5: {  	s26 =	simm.s32 $execute0_lowered;
	[smem:$0x3FD2] =	sst s25  }
0xa6: {  	s5 =	sshll.u32 s26, $0x1;
	_ =	strace $0x8000004F;
	[dreg:$0x1] =	wrdreg $0xFFFFFFFF  }
0xa7: {  	s28 =	simm.s32 $_size_execute0_lowered;
	s3 =	sadd.s32 s3, s5;
	[dreg:$0x0] =	wrdreg $0x0  }
0xa8: {  	s5 =	sshll.u32 s28, $0x1;
	[dreg:$0x2] =	wrdreg s3  }
0xa9: {  	[dreg:$0x3] =	wrdreg s5  }
0xaa: {  	[dreg:$0x4] =	wrdreg $0xC0  }
0xab: {  	_ =	task [dreg:s7], $0x5FFFF  }
0xac: {  	[dreg:$0x1] =	wrdreg $0xFFFFFFFF  }
0xad: {  	[dreg:$0x0] =	wrdreg $0x60  }
0xae: {  	[dreg:$0x2] =	wrdreg s24  }
0xaf: {  	[dreg:$0x3] =	wrdreg s2  }
0xb0: {  	[dreg:$0x4] =	wrdreg $0x9  }
0xb1: {  	_ =	task.clear_ibuf [dreg:s7], $0x5FFFF;
	_ =	strace $0x9000004F  }
0xb2: {  	s29 =	simm.s32 $0x9;
	_ =	strace $0x80000051  }
0xb3: {  	_ =	swait.ge [sflag:s29], $0x1  }
0xb4: {  	[sflag:s29] =	ssyncadd.s32 $0xFFFFFFFF  }
0xb5: {  	_ =	strace $0x90000051  }
0xb6: {  	_ =	sfence  }
0xb7: {  	s30 =	sld [smem:$0x0];
	_ =	sdelay $0x2  }
0xb8: {  	s31 =	sshll.u32 s1, $0xD;
	s1 =	sshrl.u32 s1, $0x2  }
0xb9: {  	s3 =	sand.u32 $0x4000, s31;
	s1 =	sadd.s32 s1, s30  }
0xba: {  	s0 =	sor.u32 s3, s0;
	s1 =	sshll.u32 s1, $0x11  }
0xbb: {  	s0 =	sor.u32 s1, s0  }
0xbc: {  	s0 =	sadd.s32 $0x8F2B, s0  }
0xbd: {  	[sflag:s0] =	ssyncadd.remote.s32 $0x1  }
0xbe: {  	_ =	sfence.sel $0xFFFF  }
0xbf: {  	[dreg:$0x0] =	wrdreg $0xFFFFFFFF;
	(pc) =	sbr.abs _section_cstart, $3  }
0xc0: {  	[dreg:$0x1] =	wrdreg $0xFFFFFFFF  }
0xc1: {  	_ =	task.clear_ibuf [dreg:s7], $0x2FFFF;
	_ =	strace $0x9FFFFFFF  }
0xc2: {  	(tm) =	ssettm $0x7FFFFFFF  }
0xc3: {  	_ =	shalt  }
tec
execute0_lowered:
.L_overlay_start_1:
0x0: {  	(tag) =	ssettag $0x1  }
0x1: {  	s0 =	srdreg.scid;
	s1 =	rddreg [dreg:$0x0]  }
0x2: {  	s2 =	stileid.u32;
	s8 =	rddreg [dreg:$0x1]  }
0x3: {  	s13 =	simm.s32 $0x2;
	s14 =	simm.s32 $0x80;
	s28 =	simm.s32 $0x1  }
0x4: {  	s30 =	simm.s32 $0x880;
	s31 =	simm.s32 $0x1080;
	s15 =	simm.s32 $0x3080  }
0x5: {  	s16 =	simm.s32 $0x3880;
	s17 =	simm.s32 $0x4080;
	s18 =	simm.s32 $0x4880  }
0x6: {  	s19 =	simm.s32 $0x5080;
	s20 =	simm.s32 $0x5880;
	s21 =	simm.s32 $0x6080  }
0x7: {  	s22 =	simm.s32 $0x6880;
	s23 =	simm.s32 $0x7080;
	s24 =	simm.s32 $0x7880  }
0x8: {  	s0 =	sand.u32 $0x1, s0;
	s3 =	sshll.u32 s2, $0x8;
	s2 =	simm.s32 $0x0  }
0x9: {  	s7 =	sadd.s32 $0x122E00, s1;
	s11 =	sadd.s32 $0x123100, s1;
	s4 =	sshll.u32 s0, $0x7  }
0xa: {  	[smem:$0x7FF] =	sst s2;
	s0 =	ssub.s32 $0x2, s0;
	s6 =	sor.u32 s4, s3  }
0xb: {  	_ =	strace $0x80000050;
	s5 =	sshrl.u32 s0, $0x1;
	s4 =	sadd.s32 $0x122B00, s1  }
0xc: {  	s3 =	sshrl.u32 s6, $0x3;
	s0 =	ssub.s32 s0, s5;
	s10 =	sshll.u32 s6, $0x8  }
0xd: {  	s5 =	sadd.s32 $0x122C00, s1;
	s25 =	sadd.s32 s3, s1;
	s12 =	sadd.s32 s8, s10  }
0xe: {  	s6 =	sadd.s32 $0x122D00, s1;
	s9 =	sadd.s32 $0x2000, s25;
	[dreg:$0x7] =	wrdreg s12  }
0xf: {  	s3 =	sadd.s32 $0x122A00, s1;
	s8 =	sadd.s32 $0x2000, s12;
	[dreg:$0x3] =	wrdreg s9  }
0x10: {  	s10 =	sadd.s32 $0x123000, s1;
	s26 =	sadd.s32 $0x4000, s12;
	[dreg:$0x4] =	wrdreg s8  }
0x11: {  	v2 =	vlaneseq.u32;
	s29 =	sadd.s32 $0x6000, s12;
	s12 =	smax.u32 s0, $0x1;
	[dreg:$0x5] =	wrdreg s26  }
0x12: {  	vm0 =	vmmov $0xffff;
	v1 =	vshrl.u32 v2, $0x3;
	s25 =	simm.s32 $0x8080;
	s9 =	sadd.s32 $0x122F00, s1;
	[dreg:$0x6] =	wrdreg s29  }
0x13: {  	v0 =	vand.u32 $0x7, v2;
	v2 =	vor.u32 $0x8, v2;
	v1 =	vmul.u32 $0x8, v1;
	s1 =	simm.s32 $0x1880;
	s8 =	simm.s32 $0x2880;
	s26 =	simm.s32 $0x8880  }
.LBB2_1:
0x14: {  	s29 =	rddreg [dreg:$0x3]  }
0x15: {  	[tilespmem:s2], [sflag:$0x2] =	stream.linear.gather [hbm4b:s29+s2], $0x80, $0x38;
	[tilespmem:$0x10080] =	vst v63  }
0x16: {  	_ =	swait.ge [sflag:s13], $0x80  }
0x17: {  	[sflag:s13] =	ssyncset.done $0x0  }
0x18: {  	[sflag:s13] =	ssyncadd.s32 $0xFFFFFF80  }
0x19: {  	v3 =	vld [tilespmem:$0x0];
	_ =	sdelay $0x4  }
0x1a: {  	v4 =	vshll.u32 v3, $0x4  }
0x1b: {  	v3 =	vand.u32 $0x7, v3;
	v4 =	vand.u32 $0xFFFFFF80, v4  }
0x1c: {  	v3 =	vor.u32 v3, v4  }
0x1d: {  	v4 =	vperm.xlane v3, v0;
	_ =	sdelay $0x1  }
0x1e: {  	v4 =	vadd.s32 v1, v4;
	_ =	sdelay $0x4  }
0x1f: {  	[tilespmem:s14], [sflag:$0x1] =	stream.indirect_vreg.gather [hbm4b:s3+s2], $0x80, v4, vm0, $0xb8;
	[tilespmem:$0x10080] =	vst v63  }
0x20: {  	_ = 	snop  }
0x21: {  	[tilespmem:s30], [sflag:$0x1] =	stream.indirect_vreg.gather [hbm4b:s4+s2], $0x80, v4, vm0, $0xb8;
	[tilespmem:$0x10080] =	vst v63  }
0x22: {  	_ = 	snop  }
0x23: {  	[tilespmem:s31], [sflag:$0x1] =	stream.indirect_vreg.gather [hbm4b:s5+s2], $0x80, v4, vm0, $0xb8;
	[tilespmem:$0x10080] =	vst v63  }
0x24: {  	_ = 	snop  }
0x25: {  	[tilespmem:s1], [sflag:$0x1] =	stream.indirect_vreg.gather [hbm4b:s6+s2], $0x80, v4, vm0, $0xb8;
	[tilespmem:$0x10080] =	vst v63  }
0x26: {  	s0 =	simm.s32 $0x2080  }
0x27: {  	[tilespmem:s0], [sflag:$0x1] =	stream.indirect_vreg.gather [hbm4b:s7+s2], $0x80, v4, vm0, $0xb8;
	[tilespmem:$0x10080] =	vst v63  }
0x28: {  	v3 =	vperm.xlane v3, v2  }
0x29: {  	[tilespmem:s8], [sflag:$0x1] =	stream.indirect_vreg.gather [hbm4b:s9+s2], $0x80, v4, vm0, $0xb8;
	[tilespmem:$0x10080] =	vst v63  }
0x2a: {  	v3 =	vadd.s32 v1, v3  }
0x2b: {  	[tilespmem:s15], [sflag:$0x1] =	stream.indirect_vreg.gather [hbm4b:s10+s2], $0x80, v4, vm0, $0xb8;
	[tilespmem:$0x10080] =	vst v63  }
0x2c: {  	_ = 	snop  }
0x2d: {  	[tilespmem:s16], [sflag:$0x1] =	stream.indirect_vreg.gather [hbm4b:s11+s2], $0x80, v4, vm0, $0xb8;
	[tilespmem:$0x10080] =	vst v63  }
0x2e: {  	_ = 	snop  }
0x2f: {  	[tilespmem:s17], [sflag:$0x1] =	stream.indirect_vreg.gather [hbm4b:s3+s2], $0x80, v3, vm0, $0xb8;
	[tilespmem:$0x10080] =	vst v63  }
0x30: {  	_ = 	snop  }
0x31: {  	[tilespmem:s18], [sflag:$0x1] =	stream.indirect_vreg.gather [hbm4b:s4+s2], $0x80, v3, vm0, $0xb8;
	[tilespmem:$0x10080] =	vst v63  }
0x32: {  	_ = 	snop  }
0x33: {  	[tilespmem:s19], [sflag:$0x1] =	stream.indirect_vreg.gather [hbm4b:s5+s2], $0x80, v3, vm0, $0xb8;
	[tilespmem:$0x10080] =	vst v63  }
0x34: {  	_ = 	snop  }
0x35: {  	[tilespmem:s20], [sflag:$0x1] =	stream.indirect_vreg.gather [hbm4b:s6+s2], $0x80, v3, vm0, $0xb8;
	[tilespmem:$0x10080] =	vst v63  }
0x36: {  	_ = 	snop  }
0x37: {  	[tilespmem:s21], [sflag:$0x1] =	stream.indirect_vreg.gather [hbm4b:s7+s2], $0x80, v3, vm0, $0xb8;
	[tilespmem:$0x10080] =	vst v63  }
0x38: {  	_ = 	snop  }
0x39: {  	[tilespmem:s22], [sflag:$0x1] =	stream.indirect_vreg.gather [hbm4b:s9+s2], $0x80, v3, vm0, $0xb8;
	[tilespmem:$0x10080] =	vst v63  }
0x3a: {  	_ = 	snop  }
0x3b: {  	[tilespmem:s23], [sflag:$0x1] =	stream.indirect_vreg.gather [hbm4b:s10+s2], $0x80, v3, vm0, $0xb8;
	[tilespmem:$0x10080] =	vst v63  }
0x3c: {  	_ = 	snop  }
0x3d: {  	[tilespmem:s24], [sflag:$0x1] =	stream.indirect_vreg.gather [hbm4b:s11+s2], $0x80, v3, vm0, $0xb8;
	[tilespmem:$0x10080] =	vst v63  }
0x3e: {  	v3 =	vld [tilespmem:$0x10];
	_ =	sdelay $0x4  }
0x3f: {  	v57 =	vshll.u32 v3, $0x4  }
0x40: {  	v3 =	vand.u32 $0x7, v3;
	v4 =	vand.u32 $0xFFFFFF80, v57  }
0x41: {  	v3 =	vor.u32 v3, v4  }
0x42: {  	v4 =	vperm.xlane v3, v0;
	_ =	sdelay $0x1  }
0x43: {  	v4 =	vadd.s32 v1, v4;
	_ =	sdelay $0x4  }
0x44: {  	[tilespmem:s25], [sflag:$0x1] =	stream.indirect_vreg.gather [hbm4b:s3+s2], $0x80, v4, vm0, $0xb8;
	[tilespmem:$0x10080] =	vst v63  }
0x45: {  	_ = 	snop  }
0x46: {  	[tilespmem:s26], [sflag:$0x1] =	stream.indirect_vreg.gather [hbm4b:s4+s2], $0x80, v4, vm0, $0xb8;
	[tilespmem:$0x10080] =	vst v63  }
0x47: {  	s29 =	simm.s32 $0x9080  }
0x48: {  	[tilespmem:s29], [sflag:$0x1] =	stream.indirect_vreg.gather [hbm4b:s5+s2], $0x80, v4, vm0, $0xb8;
	[tilespmem:$0x10080] =	vst v63  }
0x49: {  	s29 =	simm.s32 $0x9880  }
0x4a: {  	[tilespmem:s29], [sflag:$0x1] =	stream.indirect_vreg.gather [hbm4b:s6+s2], $0x80, v4, vm0, $0xb8;
	[tilespmem:$0x10080] =	vst v63  }
0x4b: {  	s29 =	simm.s32 $0xA080  }
0x4c: {  	[tilespmem:s29], [sflag:$0x1] =	stream.indirect_vreg.gather [hbm4b:s7+s2], $0x80, v4, vm0, $0xb8;
	[tilespmem:$0x10080] =	vst v63  }
0x4d: {  	v3 =	vperm.xlane v3, v2;
	s29 =	simm.s32 $0xA880  }
0x4e: {  	[tilespmem:s29], [sflag:$0x1] =	stream.indirect_vreg.gather [hbm4b:s9+s2], $0x80, v4, vm0, $0xb8;
	[tilespmem:$0x10080] =	vst v63  }
0x4f: {  	v3 =	vadd.s32 v1, v3;
	s29 =	simm.s32 $0xB080  }
0x50: {  	[tilespmem:s29], [sflag:$0x1] =	stream.indirect_vreg.gather [hbm4b:s10+s2], $0x80, v4, vm0, $0xb8;
	[tilespmem:$0x10080] =	vst v63  }
0x51: {  	s29 =	simm.s32 $0xB880  }
0x52: {  	[tilespmem:s29], [sflag:$0x1] =	stream.indirect_vreg.gather [hbm4b:s11+s2], $0x80, v4, vm0, $0xb8;
	[tilespmem:$0x10080] =	vst v63  }
0x53: {  	s29 =	simm.s32 $0xC080  }
0x54: {  	[tilespmem:s29], [sflag:$0x1] =	stream.indirect_vreg.gather [hbm4b:s3+s2], $0x80, v3, vm0, $0xb8;
	[tilespmem:$0x10080] =	vst v63  }
0x55: {  	s29 =	simm.s32 $0xC880  }
0x56: {  	[tilespmem:s29], [sflag:$0x1] =	stream.indirect_vreg.gather [hbm4b:s4+s2], $0x80, v3, vm0, $0xb8;
	[tilespmem:$0x10080] =	vst v63  }
0x57: {  	s29 =	simm.s32 $0xD080  }
0x58: {  	[tilespmem:s29], [sflag:$0x1] =	stream.indirect_vreg.gather [hbm4b:s5+s2], $0x80, v3, vm0, $0xb8;
	[tilespmem:$0x10080] =	vst v63  }
0x59: {  	s29 =	simm.s32 $0xD880  }
0x5a: {  	[tilespmem:s29], [sflag:$0x1] =	stream.indirect_vreg.gather [hbm4b:s6+s2], $0x80, v3, vm0, $0xb8;
	[tilespmem:$0x10080] =	vst v63  }
0x5b: {  	s29 =	simm.s32 $0xE080  }
0x5c: {  	[tilespmem:s29], [sflag:$0x1] =	stream.indirect_vreg.gather [hbm4b:s7+s2], $0x80, v3, vm0, $0xb8;
	[tilespmem:$0x10080] =	vst v63  }
0x5d: {  	s29 =	simm.s32 $0xE880  }
0x5e: {  	[tilespmem:s29], [sflag:$0x1] =	stream.indirect_vreg.gather [hbm4b:s9+s2], $0x80, v3, vm0, $0xb8;
	[tilespmem:$0x10080] =	vst v63  }
0x5f: {  	s29 =	simm.s32 $0xF080  }
0x60: {  	[tilespmem:s29], [sflag:$0x1] =	stream.indirect_vreg.gather [hbm4b:s10+s2], $0x80, v3, vm0, $0xb8;
	[tilespmem:$0x10080] =	vst v63  }
0x61: {  	s29 =	simm.s32 $0xF880  }
0x62: {  	[tilespmem:s29], [sflag:$0x1] =	stream.indirect_vreg.gather [hbm4b:s11+s2], $0x80, v3, vm0, $0xb8;
	[tilespmem:$0x10080] =	vst v63  }
0x63: {  	_ =	swait.ge [sflag:s28], $0x10000  }
0x64: {  	[sflag:s28] =	ssyncset.done $0x0  }
0x65: {  	s29 =	rddreg [dreg:$0x7];
	[sflag:s28] =	ssyncadd.s32 $0xFFFF0000  }
0x66: {  	[hbm4b:s29+s2] =	stream.linear.scatter [tilespmem:s14], [sflag:$0x2], $0x10000, $0x38;
	[tilespmem:$0x10080] =	vst v63  }
0x67: {  	_ =	swait.ge [sflag:s13], $0x10000  }
0x68: {  	[sflag:s13] =	ssyncset.done $0x0  }
0x69: {  	[sflag:s13] =	ssyncadd.s32 $0xFFFF0000  }
0x6a: {  	v3 =	vld [tilespmem:$0x20];
	_ =	sdelay $0x4  }
0x6b: {  	v58 =	vshll.u32 v3, $0x4  }
0x6c: {  	v3 =	vand.u32 $0x7, v3;
	v4 =	vand.u32 $0xFFFFFF80, v58  }
0x6d: {  	v3 =	vor.u32 v3, v4  }
0x6e: {  	v4 =	vperm.xlane v3, v0;
	_ =	sdelay $0x1  }
0x6f: {  	v4 =	vadd.s32 v1, v4;
	_ =	sdelay $0x4  }
0x70: {  	[tilespmem:s14], [sflag:$0x1] =	stream.indirect_vreg.gather [hbm4b:s3+s2], $0x80, v4, vm0, $0xb8;
	[tilespmem:$0x10080] =	vst v63  }
0x71: {  	_ = 	snop  }
0x72: {  	[tilespmem:s30], [sflag:$0x1] =	stream.indirect_vreg.gather [hbm4b:s4+s2], $0x80, v4, vm0, $0xb8;
	[tilespmem:$0x10080] =	vst v63  }
0x73: {  	_ = 	snop  }
0x74: {  	[tilespmem:s31], [sflag:$0x1] =	stream.indirect_vreg.gather [hbm4b:s5+s2], $0x80, v4, vm0, $0xb8;
	[tilespmem:$0x10080] =	vst v63  }
0x75: {  	_ = 	snop  }
0x76: {  	[tilespmem:s1], [sflag:$0x1] =	stream.indirect_vreg.gather [hbm4b:s6+s2], $0x80, v4, vm0, $0xb8;
	[tilespmem:$0x10080] =	vst v63  }
0x77: {  	_ = 	snop  }
0x78: {  	[tilespmem:s0], [sflag:$0x1] =	stream.indirect_vreg.gather [hbm4b:s7+s2], $0x80, v4, vm0, $0xb8;
	[tilespmem:$0x10080] =	vst v63  }
0x79: {  	v3 =	vperm.xlane v3, v2  }
0x7a: {  	[tilespmem:s8], [sflag:$0x1] =	stream.indirect_vreg.gather [hbm4b:s9+s2], $0x80, v4, vm0, $0xb8;
	[tilespmem:$0x10080] =	vst v63  }
0x7b: {  	v3 =	vadd.s32 v1, v3  }
0x7c: {  	[tilespmem:s15], [sflag:$0x1] =	stream.indirect_vreg.gather [hbm4b:s10+s2], $0x80, v4, vm0, $0xb8;
	[tilespmem:$0x10080] =	vst v63  }
0x7d: {  	_ = 	snop  }
0x7e: {  	[tilespmem:s16], [sflag:$0x1] =	stream.indirect_vreg.gather [hbm4b:s11+s2], $0x80, v4, vm0, $0xb8;
	[tilespmem:$0x10080] =	vst v63  }
0x7f: {  	_ = 	snop  }
0x80: {  	[tilespmem:s17], [sflag:$0x1] =	stream.indirect_vreg.gather [hbm4b:s3+s2], $0x80, v3, vm0, $0xb8;
	[tilespmem:$0x10080] =	vst v63  }
0x81: {  	_ = 	snop  }
0x82: {  	[tilespmem:s18], [sflag:$0x1] =	stream.indirect_vreg.gather [hbm4b:s4+s2], $0x80, v3, vm0, $0xb8;
	[tilespmem:$0x10080] =	vst v63  }
0x83: {  	_ = 	snop  }
0x84: {  	[tilespmem:s19], [sflag:$0x1] =	stream.indirect_vreg.gather [hbm4b:s5+s2], $0x80, v3, vm0, $0xb8;
	[tilespmem:$0x10080] =	vst v63  }
0x85: {  	_ = 	snop  }
0x86: {  	[tilespmem:s20], [sflag:$0x1] =	stream.indirect_vreg.gather [hbm4b:s6+s2], $0x80, v3, vm0, $0xb8;
	[tilespmem:$0x10080] =	vst v63  }
0x87: {  	_ = 	snop  }
0x88: {  	[tilespmem:s21], [sflag:$0x1] =	stream.indirect_vreg.gather [hbm4b:s7+s2], $0x80, v3, vm0, $0xb8;
	[tilespmem:$0x10080] =	vst v63  }
0x89: {  	_ = 	snop  }
0x8a: {  	[tilespmem:s22], [sflag:$0x1] =	stream.indirect_vreg.gather [hbm4b:s9+s2], $0x80, v3, vm0, $0xb8;
	[tilespmem:$0x10080] =	vst v63  }
0x8b: {  	_ = 	snop  }
0x8c: {  	[tilespmem:s23], [sflag:$0x1] =	stream.indirect_vreg.gather [hbm4b:s10+s2], $0x80, v3, vm0, $0xb8;
	[tilespmem:$0x10080] =	vst v63  }
0x8d: {  	_ = 	snop  }
0x8e: {  	[tilespmem:s24], [sflag:$0x1] =	stream.indirect_vreg.gather [hbm4b:s11+s2], $0x80, v3, vm0, $0xb8;
	[tilespmem:$0x10080] =	vst v63  }
0x8f: {  	v3 =	vld [tilespmem:$0x30];
	_ =	sdelay $0x4  }
0x90: {  	v59 =	vshll.u32 v3, $0x4  }
0x91: {  	v3 =	vand.u32 $0x7, v3;
	v4 =	vand.u32 $0xFFFFFF80, v59  }
0x92: {  	v3 =	vor.u32 v3, v4  }
0x93: {  	v4 =	vperm.xlane v3, v0;
	_ =	sdelay $0x1  }
0x94: {  	v4 =	vadd.s32 v1, v4;
	_ =	sdelay $0x4  }
0x95: {  	[tilespmem:s25], [sflag:$0x1] =	stream.indirect_vreg.gather [hbm4b:s3+s2], $0x80, v4, vm0, $0xb8;
	[tilespmem:$0x10080] =	vst v63  }
0x96: {  	_ = 	snop  }
0x97: {  	[tilespmem:s26], [sflag:$0x1] =	stream.indirect_vreg.gather [hbm4b:s4+s2], $0x80, v4, vm0, $0xb8;
	[tilespmem:$0x10080] =	vst v63  }
0x98: {  	s29 =	simm.s32 $0x9080  }
0x99: {  	[tilespmem:s29], [sflag:$0x1] =	stream.indirect_vreg.gather [hbm4b:s5+s2], $0x80, v4, vm0, $0xb8;
	[tilespmem:$0x10080] =	vst v63  }
0x9a: {  	s29 =	simm.s32 $0x9880  }
0x9b: {  	[tilespmem:s29], [sflag:$0x1] =	stream.indirect_vreg.gather [hbm4b:s6+s2], $0x80, v4, vm0, $0xb8;
	[tilespmem:$0x10080] =	vst v63  }
0x9c: {  	s29 =	simm.s32 $0xA080  }
0x9d: {  	[tilespmem:s29], [sflag:$0x1] =	stream.indirect_vreg.gather [hbm4b:s7+s2], $0x80, v4, vm0, $0xb8;
	[tilespmem:$0x10080] =	vst v63  }
0x9e: {  	v3 =	vperm.xlane v3, v2;
	s29 =	simm.s32 $0xA880  }
0x9f: {  	[tilespmem:s29], [sflag:$0x1] =	stream.indirect_vreg.gather [hbm4b:s9+s2], $0x80, v4, vm0, $0xb8;
	[tilespmem:$0x10080] =	vst v63  }
0xa0: {  	v3 =	vadd.s32 v1, v3;
	s29 =	simm.s32 $0xB080  }
0xa1: {  	[tilespmem:s29], [sflag:$0x1] =	stream.indirect_vreg.gather [hbm4b:s10+s2], $0x80, v4, vm0, $0xb8;
	[tilespmem:$0x10080] =	vst v63  }
0xa2: {  	s29 =	simm.s32 $0xB880  }
0xa3: {  	[tilespmem:s29], [sflag:$0x1] =	stream.indirect_vreg.gather [hbm4b:s11+s2], $0x80, v4, vm0, $0xb8;
	[tilespmem:$0x10080] =	vst v63  }
0xa4: {  	s29 =	simm.s32 $0xC080  }
0xa5: {  	[tilespmem:s29], [sflag:$0x1] =	stream.indirect_vreg.gather [hbm4b:s3+s2], $0x80, v3, vm0, $0xb8;
	[tilespmem:$0x10080] =	vst v63  }
0xa6: {  	s29 =	simm.s32 $0xC880  }
0xa7: {  	[tilespmem:s29], [sflag:$0x1] =	stream.indirect_vreg.gather [hbm4b:s4+s2], $0x80, v3, vm0, $0xb8;
	[tilespmem:$0x10080] =	vst v63  }
0xa8: {  	s29 =	simm.s32 $0xD080  }
0xa9: {  	[tilespmem:s29], [sflag:$0x1] =	stream.indirect_vreg.gather [hbm4b:s5+s2], $0x80, v3, vm0, $0xb8;
	[tilespmem:$0x10080] =	vst v63  }
0xaa: {  	s29 =	simm.s32 $0xD880  }
0xab: {  	[tilespmem:s29], [sflag:$0x1] =	stream.indirect_vreg.gather [hbm4b:s6+s2], $0x80, v3, vm0, $0xb8;
	[tilespmem:$0x10080] =	vst v63  }
0xac: {  	s29 =	simm.s32 $0xE080  }
0xad: {  	[tilespmem:s29], [sflag:$0x1] =	stream.indirect_vreg.gather [hbm4b:s7+s2], $0x80, v3, vm0, $0xb8;
	[tilespmem:$0x10080] =	vst v63  }
0xae: {  	s29 =	simm.s32 $0xE880  }
0xaf: {  	[tilespmem:s29], [sflag:$0x1] =	stream.indirect_vreg.gather [hbm4b:s9+s2], $0x80, v3, vm0, $0xb8;
	[tilespmem:$0x10080] =	vst v63  }
0xb0: {  	s29 =	simm.s32 $0xF080  }
0xb1: {  	[tilespmem:s29], [sflag:$0x1] =	stream.indirect_vreg.gather [hbm4b:s10+s2], $0x80, v3, vm0, $0xb8;
	[tilespmem:$0x10080] =	vst v63  }
0xb2: {  	s29 =	simm.s32 $0xF880  }
0xb3: {  	[tilespmem:s29], [sflag:$0x1] =	stream.indirect_vreg.gather [hbm4b:s11+s2], $0x80, v3, vm0, $0xb8;
	[tilespmem:$0x10080] =	vst v63  }
0xb4: {  	_ =	swait.ge [sflag:s28], $0x10000  }
0xb5: {  	[sflag:s28] =	ssyncset.done $0x0  }
0xb6: {  	s29 =	rddreg [dreg:$0x4];
	[sflag:s28] =	ssyncadd.s32 $0xFFFF0000  }
0xb7: {  	[hbm4b:s29+s2] =	stream.linear.scatter [tilespmem:s14], [sflag:$0x2], $0x10000, $0x38;
	[tilespmem:$0x10080] =	vst v63  }
0xb8: {  	_ =	swait.ge [sflag:s13], $0x10000  }
0xb9: {  	[sflag:s13] =	ssyncset.done $0x0  }
0xba: {  	[sflag:s13] =	ssyncadd.s32 $0xFFFF0000  }
0xbb: {  	v3 =	vld [tilespmem:$0x40];
	_ =	sdelay $0x4  }
0xbc: {  	v60 =	vshll.u32 v3, $0x4  }
0xbd: {  	v3 =	vand.u32 $0x7, v3;
	v4 =	vand.u32 $0xFFFFFF80, v60  }
0xbe: {  	v3 =	vor.u32 v3, v4  }
0xbf: {  	v4 =	vperm.xlane v3, v0;
	_ =	sdelay $0x1  }
0xc0: {  	v4 =	vadd.s32 v1, v4;
	_ =	sdelay $0x4  }
0xc1: {  	[tilespmem:s14], [sflag:$0x1] =	stream.indirect_vreg.gather [hbm4b:s3+s2], $0x80, v4, vm0, $0xb8;
	[tilespmem:$0x10080] =	vst v63  }
0xc2: {  	_ = 	snop  }
0xc3: {  	[tilespmem:s30], [sflag:$0x1] =	stream.indirect_vreg.gather [hbm4b:s4+s2], $0x80, v4, vm0, $0xb8;
	[tilespmem:$0x10080] =	vst v63  }
0xc4: {  	_ = 	snop  }
0xc5: {  	[tilespmem:s31], [sflag:$0x1] =	stream.indirect_vreg.gather [hbm4b:s5+s2], $0x80, v4, vm0, $0xb8;
	[tilespmem:$0x10080] =	vst v63  }
0xc6: {  	_ = 	snop  }
0xc7: {  	[tilespmem:s1], [sflag:$0x1] =	stream.indirect_vreg.gather [hbm4b:s6+s2], $0x80, v4, vm0, $0xb8;
	[tilespmem:$0x10080] =	vst v63  }
0xc8: {  	_ = 	snop  }
0xc9: {  	[tilespmem:s0], [sflag:$0x1] =	stream.indirect_vreg.gather [hbm4b:s7+s2], $0x80, v4, vm0, $0xb8;
	[tilespmem:$0x10080] =	vst v63  }
0xca: {  	v3 =	vperm.xlane v3, v2  }
0xcb: {  	[tilespmem:s8], [sflag:$0x1] =	stream.indirect_vreg.gather [hbm4b:s9+s2], $0x80, v4, vm0, $0xb8;
	[tilespmem:$0x10080] =	vst v63  }
0xcc: {  	v3 =	vadd.s32 v1, v3  }
0xcd: {  	[tilespmem:s15], [sflag:$0x1] =	stream.indirect_vreg.gather [hbm4b:s10+s2], $0x80, v4, vm0, $0xb8;
	[tilespmem:$0x10080] =	vst v63  }
0xce: {  	_ = 	snop  }
0xcf: {  	[tilespmem:s16], [sflag:$0x1] =	stream.indirect_vreg.gather [hbm4b:s11+s2], $0x80, v4, vm0, $0xb8;
	[tilespmem:$0x10080] =	vst v63  }
0xd0: {  	_ = 	snop  }
0xd1: {  	[tilespmem:s17], [sflag:$0x1] =	stream.indirect_vreg.gather [hbm4b:s3+s2], $0x80, v3, vm0, $0xb8;
	[tilespmem:$0x10080] =	vst v63  }
0xd2: {  	_ = 	snop  }
0xd3: {  	[tilespmem:s18], [sflag:$0x1] =	stream.indirect_vreg.gather [hbm4b:s4+s2], $0x80, v3, vm0, $0xb8;
	[tilespmem:$0x10080] =	vst v63  }
0xd4: {  	_ = 	snop  }
0xd5: {  	[tilespmem:s19], [sflag:$0x1] =	stream.indirect_vreg.gather [hbm4b:s5+s2], $0x80, v3, vm0, $0xb8;
	[tilespmem:$0x10080] =	vst v63  }
0xd6: {  	_ = 	snop  }
0xd7: {  	[tilespmem:s20], [sflag:$0x1] =	stream.indirect_vreg.gather [hbm4b:s6+s2], $0x80, v3, vm0, $0xb8;
	[tilespmem:$0x10080] =	vst v63  }
0xd8: {  	_ = 	snop  }
0xd9: {  	[tilespmem:s21], [sflag:$0x1] =	stream.indirect_vreg.gather [hbm4b:s7+s2], $0x80, v3, vm0, $0xb8;
	[tilespmem:$0x10080] =	vst v63  }
0xda: {  	_ = 	snop  }
0xdb: {  	[tilespmem:s22], [sflag:$0x1] =	stream.indirect_vreg.gather [hbm4b:s9+s2], $0x80, v3, vm0, $0xb8;
	[tilespmem:$0x10080] =	vst v63  }
0xdc: {  	_ = 	snop  }
0xdd: {  	[tilespmem:s23], [sflag:$0x1] =	stream.indirect_vreg.gather [hbm4b:s10+s2], $0x80, v3, vm0, $0xb8;
	[tilespmem:$0x10080] =	vst v63  }
0xde: {  	_ = 	snop  }
0xdf: {  	[tilespmem:s24], [sflag:$0x1] =	stream.indirect_vreg.gather [hbm4b:s11+s2], $0x80, v3, vm0, $0xb8;
	[tilespmem:$0x10080] =	vst v63  }
0xe0: {  	v3 =	vld [tilespmem:$0x50];
	_ =	sdelay $0x4  }
0xe1: {  	v61 =	vshll.u32 v3, $0x4  }
0xe2: {  	v3 =	vand.u32 $0x7, v3;
	v4 =	vand.u32 $0xFFFFFF80, v61  }
0xe3: {  	v3 =	vor.u32 v3, v4  }
0xe4: {  	v4 =	vperm.xlane v3, v0;
	_ =	sdelay $0x1  }
0xe5: {  	v4 =	vadd.s32 v1, v4;
	_ =	sdelay $0x4  }
0xe6: {  	[tilespmem:s25], [sflag:$0x1] =	stream.indirect_vreg.gather [hbm4b:s3+s2], $0x80, v4, vm0, $0xb8;
	[tilespmem:$0x10080] =	vst v63  }
0xe7: {  	_ = 	snop  }
0xe8: {  	[tilespmem:s26], [sflag:$0x1] =	stream.indirect_vreg.gather [hbm4b:s4+s2], $0x80, v4, vm0, $0xb8;
	[tilespmem:$0x10080] =	vst v63  }
0xe9: {  	s29 =	simm.s32 $0x9080  }
0xea: {  	[tilespmem:s29], [sflag:$0x1] =	stream.indirect_vreg.gather [hbm4b:s5+s2], $0x80, v4, vm0, $0xb8;
	[tilespmem:$0x10080] =	vst v63  }
0xeb: {  	s29 =	simm.s32 $0x9880  }
0xec: {  	[tilespmem:s29], [sflag:$0x1] =	stream.indirect_vreg.gather [hbm4b:s6+s2], $0x80, v4, vm0, $0xb8;
	[tilespmem:$0x10080] =	vst v63  }
0xed: {  	s29 =	simm.s32 $0xA080  }
0xee: {  	[tilespmem:s29], [sflag:$0x1] =	stream.indirect_vreg.gather [hbm4b:s7+s2], $0x80, v4, vm0, $0xb8;
	[tilespmem:$0x10080] =	vst v63  }
0xef: {  	v3 =	vperm.xlane v3, v2;
	s29 =	simm.s32 $0xA880  }
0xf0: {  	[tilespmem:s29], [sflag:$0x1] =	stream.indirect_vreg.gather [hbm4b:s9+s2], $0x80, v4, vm0, $0xb8;
	[tilespmem:$0x10080] =	vst v63  }
0xf1: {  	v3 =	vadd.s32 v1, v3;
	s29 =	simm.s32 $0xB080  }
0xf2: {  	[tilespmem:s29], [sflag:$0x1] =	stream.indirect_vreg.gather [hbm4b:s10+s2], $0x80, v4, vm0, $0xb8;
	[tilespmem:$0x10080] =	vst v63  }
0xf3: {  	s29 =	simm.s32 $0xB880  }
0xf4: {  	[tilespmem:s29], [sflag:$0x1] =	stream.indirect_vreg.gather [hbm4b:s11+s2], $0x80, v4, vm0, $0xb8;
	[tilespmem:$0x10080] =	vst v63  }
0xf5: {  	s29 =	simm.s32 $0xC080  }
0xf6: {  	[tilespmem:s29], [sflag:$0x1] =	stream.indirect_vreg.gather [hbm4b:s3+s2], $0x80, v3, vm0, $0xb8;
	[tilespmem:$0x10080] =	vst v63  }
0xf7: {  	s29 =	simm.s32 $0xC880  }
0xf8: {  	[tilespmem:s29], [sflag:$0x1] =	stream.indirect_vreg.gather [hbm4b:s4+s2], $0x80, v3, vm0, $0xb8;
	[tilespmem:$0x10080] =	vst v63  }
0xf9: {  	s29 =	simm.s32 $0xD080  }
0xfa: {  	[tilespmem:s29], [sflag:$0x1] =	stream.indirect_vreg.gather [hbm4b:s5+s2], $0x80, v3, vm0, $0xb8;
	[tilespmem:$0x10080] =	vst v63  }
0xfb: {  	s29 =	simm.s32 $0xD880  }
0xfc: {  	[tilespmem:s29], [sflag:$0x1] =	stream.indirect_vreg.gather [hbm4b:s6+s2], $0x80, v3, vm0, $0xb8;
	[tilespmem:$0x10080] =	vst v63  }
0xfd: {  	s29 =	simm.s32 $0xE080  }
0xfe: {  	[tilespmem:s29], [sflag:$0x1] =	stream.indirect_vreg.gather [hbm4b:s7+s2], $0x80, v3, vm0, $0xb8;
	[tilespmem:$0x10080] =	vst v63  }
0xff: {  	s29 =	simm.s32 $0xE880  }
0x100: {  	[tilespmem:s29], [sflag:$0x1] =	stream.indirect_vreg.gather [hbm4b:s9+s2], $0x80, v3, vm0, $0xb8;
	[tilespmem:$0x10080] =	vst v63  }
0x101: {  	s29 =	simm.s32 $0xF080  }
0x102: {  	[tilespmem:s29], [sflag:$0x1] =	stream.indirect_vreg.gather [hbm4b:s10+s2], $0x80, v3, vm0, $0xb8;
	[tilespmem:$0x10080] =	vst v63  }
0x103: {  	s29 =	simm.s32 $0xF880  }
0x104: {  	[tilespmem:s29], [sflag:$0x1] =	stream.indirect_vreg.gather [hbm4b:s11+s2], $0x80, v3, vm0, $0xb8;
	[tilespmem:$0x10080] =	vst v63  }
0x105: {  	_ =	swait.ge [sflag:s28], $0x10000  }
0x106: {  	[sflag:s28] =	ssyncset.done $0x0  }
0x107: {  	s29 =	rddreg [dreg:$0x5];
	[sflag:s28] =	ssyncadd.s32 $0xFFFF0000  }
0x108: {  	[hbm4b:s29+s2] =	stream.linear.scatter [tilespmem:s14], [sflag:$0x2], $0x10000, $0x38;
	[tilespmem:$0x10080] =	vst v63  }
0x109: {  	_ =	swait.ge [sflag:s13], $0x10000  }
0x10a: {  	[sflag:s13] =	ssyncset.done $0x0  }
0x10b: {  	[sflag:s13] =	ssyncadd.s32 $0xFFFF0000  }
0x10c: {  	v3 =	vld [tilespmem:$0x60];
	_ =	sdelay $0x4  }
0x10d: {  	v62 =	vshll.u32 v3, $0x4  }
0x10e: {  	v3 =	vand.u32 $0x7, v3;
	v4 =	vand.u32 $0xFFFFFF80, v62  }
0x10f: {  	v3 =	vor.u32 v3, v4  }
0x110: {  	v4 =	vperm.xlane v3, v0;
	_ =	sdelay $0x1  }
0x111: {  	v4 =	vadd.s32 v1, v4;
	_ =	sdelay $0x4  }
0x112: {  	[tilespmem:s14], [sflag:$0x1] =	stream.indirect_vreg.gather [hbm4b:s3+s2], $0x80, v4, vm0, $0xb8;
	[tilespmem:$0x10080] =	vst v63  }
0x113: {  	_ = 	snop  }
0x114: {  	[tilespmem:s30], [sflag:$0x1] =	stream.indirect_vreg.gather [hbm4b:s4+s2], $0x80, v4, vm0, $0xb8;
	[tilespmem:$0x10080] =	vst v63  }
0x115: {  	_ = 	snop  }
0x116: {  	[tilespmem:s31], [sflag:$0x1] =	stream.indirect_vreg.gather [hbm4b:s5+s2], $0x80, v4, vm0, $0xb8;
	[tilespmem:$0x10080] =	vst v63  }
0x117: {  	_ = 	snop  }
0x118: {  	[tilespmem:s1], [sflag:$0x1] =	stream.indirect_vreg.gather [hbm4b:s6+s2], $0x80, v4, vm0, $0xb8;
	[tilespmem:$0x10080] =	vst v63  }
0x119: {  	_ = 	snop  }
0x11a: {  	[tilespmem:s0], [sflag:$0x1] =	stream.indirect_vreg.gather [hbm4b:s7+s2], $0x80, v4, vm0, $0xb8;
	[tilespmem:$0x10080] =	vst v63  }
0x11b: {  	v3 =	vperm.xlane v3, v2  }
0x11c: {  	[tilespmem:s8], [sflag:$0x1] =	stream.indirect_vreg.gather [hbm4b:s9+s2], $0x80, v4, vm0, $0xb8;
	[tilespmem:$0x10080] =	vst v63  }
0x11d: {  	v3 =	vadd.s32 v1, v3  }
0x11e: {  	[tilespmem:s15], [sflag:$0x1] =	stream.indirect_vreg.gather [hbm4b:s10+s2], $0x80, v4, vm0, $0xb8;
	[tilespmem:$0x10080] =	vst v63  }
0x11f: {  	_ = 	snop  }
0x120: {  	[tilespmem:s16], [sflag:$0x1] =	stream.indirect_vreg.gather [hbm4b:s11+s2], $0x80, v4, vm0, $0xb8;
	[tilespmem:$0x10080] =	vst v63  }
0x121: {  	_ = 	snop  }
0x122: {  	[tilespmem:s17], [sflag:$0x1] =	stream.indirect_vreg.gather [hbm4b:s3+s2], $0x80, v3, vm0, $0xb8;
	[tilespmem:$0x10080] =	vst v63  }
0x123: {  	_ = 	snop  }
0x124: {  	[tilespmem:s18], [sflag:$0x1] =	stream.indirect_vreg.gather [hbm4b:s4+s2], $0x80, v3, vm0, $0xb8;
	[tilespmem:$0x10080] =	vst v63  }
0x125: {  	_ = 	snop  }
0x126: {  	[tilespmem:s19], [sflag:$0x1] =	stream.indirect_vreg.gather [hbm4b:s5+s2], $0x80, v3, vm0, $0xb8;
	[tilespmem:$0x10080] =	vst v63  }
0x127: {  	_ = 	snop  }
0x128: {  	[tilespmem:s20], [sflag:$0x1] =	stream.indirect_vreg.gather [hbm4b:s6+s2], $0x80, v3, vm0, $0xb8;
	[tilespmem:$0x10080] =	vst v63  }
0x129: {  	_ = 	snop  }
0x12a: {  	[tilespmem:s21], [sflag:$0x1] =	stream.indirect_vreg.gather [hbm4b:s7+s2], $0x80, v3, vm0, $0xb8;
	[tilespmem:$0x10080] =	vst v63  }
0x12b: {  	_ = 	snop  }
0x12c: {  	[tilespmem:s22], [sflag:$0x1] =	stream.indirect_vreg.gather [hbm4b:s9+s2], $0x80, v3, vm0, $0xb8;
	[tilespmem:$0x10080] =	vst v63  }
0x12d: {  	_ = 	snop  }
0x12e: {  	[tilespmem:s23], [sflag:$0x1] =	stream.indirect_vreg.gather [hbm4b:s10+s2], $0x80, v3, vm0, $0xb8;
	[tilespmem:$0x10080] =	vst v63  }
0x12f: {  	_ = 	snop  }
0x130: {  	[tilespmem:s24], [sflag:$0x1] =	stream.indirect_vreg.gather [hbm4b:s11+s2], $0x80, v3, vm0, $0xb8;
	[tilespmem:$0x10080] =	vst v63  }
0x131: {  	v3 =	vld [tilespmem:$0x70];
	_ =	sdelay $0x4  }
0x132: {  	v63 =	vshll.u32 v3, $0x4  }
0x133: {  	v3 =	vand.u32 $0x7, v3;
	v4 =	vand.u32 $0xFFFFFF80, v63  }
0x134: {  	v3 =	vor.u32 v3, v4  }
0x135: {  	v4 =	vperm.xlane v3, v0;
	_ =	sdelay $0x1  }
0x136: {  	v4 =	vadd.s32 v1, v4;
	_ =	sdelay $0x4  }
0x137: {  	[tilespmem:s25], [sflag:$0x1] =	stream.indirect_vreg.gather [hbm4b:s3+s2], $0x80, v4, vm0, $0xb8;
	[tilespmem:$0x10080] =	vst v63  }
0x138: {  	_ = 	snop  }
0x139: {  	[tilespmem:s26], [sflag:$0x1] =	stream.indirect_vreg.gather [hbm4b:s4+s2], $0x80, v4, vm0, $0xb8;
	[tilespmem:$0x10080] =	vst v63  }
0x13a: {  	s29 =	simm.s32 $0x9080  }
0x13b: {  	[tilespmem:s29], [sflag:$0x1] =	stream.indirect_vreg.gather [hbm4b:s5+s2], $0x80, v4, vm0, $0xb8;
	[tilespmem:$0x10080] =	vst v63  }
0x13c: {  	s29 =	simm.s32 $0x9880  }
0x13d: {  	[tilespmem:s29], [sflag:$0x1] =	stream.indirect_vreg.gather [hbm4b:s6+s2], $0x80, v4, vm0, $0xb8;
	[tilespmem:$0x10080] =	vst v63  }
0x13e: {  	s29 =	simm.s32 $0xA080  }
0x13f: {  	[tilespmem:s29], [sflag:$0x1] =	stream.indirect_vreg.gather [hbm4b:s7+s2], $0x80, v4, vm0, $0xb8;
	[tilespmem:$0x10080] =	vst v63  }
0x140: {  	v3 =	vperm.xlane v3, v2;
	s29 =	simm.s32 $0xA880  }
0x141: {  	[tilespmem:s29], [sflag:$0x1] =	stream.indirect_vreg.gather [hbm4b:s9+s2], $0x80, v4, vm0, $0xb8;
	[tilespmem:$0x10080] =	vst v63  }
0x142: {  	v3 =	vadd.s32 v1, v3;
	s29 =	simm.s32 $0xB080  }
0x143: {  	[tilespmem:s29], [sflag:$0x1] =	stream.indirect_vreg.gather [hbm4b:s10+s2], $0x80, v4, vm0, $0xb8;
	[tilespmem:$0x10080] =	vst v63  }
0x144: {  	s29 =	simm.s32 $0xB880  }
0x145: {  	[tilespmem:s29], [sflag:$0x1] =	stream.indirect_vreg.gather [hbm4b:s11+s2], $0x80, v4, vm0, $0xb8;
	[tilespmem:$0x10080] =	vst v63  }
0x146: {  	s29 =	simm.s32 $0xC080  }
0x147: {  	[tilespmem:s29], [sflag:$0x1] =	stream.indirect_vreg.gather [hbm4b:s3+s2], $0x80, v3, vm0, $0xb8;
	[tilespmem:$0x10080] =	vst v63  }
0x148: {  	s29 =	simm.s32 $0xC880  }
0x149: {  	[tilespmem:s29], [sflag:$0x1] =	stream.indirect_vreg.gather [hbm4b:s4+s2], $0x80, v3, vm0, $0xb8;
	[tilespmem:$0x10080] =	vst v63  }
0x14a: {  	s29 =	simm.s32 $0xD080  }
0x14b: {  	[tilespmem:s29], [sflag:$0x1] =	stream.indirect_vreg.gather [hbm4b:s5+s2], $0x80, v3, vm0, $0xb8;
	[tilespmem:$0x10080] =	vst v63  }
0x14c: {  	s29 =	simm.s32 $0xD880  }
0x14d: {  	[tilespmem:s29], [sflag:$0x1] =	stream.indirect_vreg.gather [hbm4b:s6+s2], $0x80, v3, vm0, $0xb8;
	[tilespmem:$0x10080] =	vst v63  }
0x14e: {  	s29 =	simm.s32 $0xE080  }
0x14f: {  	[tilespmem:s29], [sflag:$0x1] =	stream.indirect_vreg.gather [hbm4b:s7+s2], $0x80, v3, vm0, $0xb8;
	[tilespmem:$0x10080] =	vst v63  }
0x150: {  	s29 =	simm.s32 $0xE880  }
0x151: {  	[tilespmem:s29], [sflag:$0x1] =	stream.indirect_vreg.gather [hbm4b:s9+s2], $0x80, v3, vm0, $0xb8;
	[tilespmem:$0x10080] =	vst v63  }
0x152: {  	s29 =	simm.s32 $0xF080  }
0x153: {  	[tilespmem:s29], [sflag:$0x1] =	stream.indirect_vreg.gather [hbm4b:s10+s2], $0x80, v3, vm0, $0xb8;
	[tilespmem:$0x10080] =	vst v63  }
0x154: {  	s29 =	simm.s32 $0xF880  }
0x155: {  	[tilespmem:s29], [sflag:$0x1] =	stream.indirect_vreg.gather [hbm4b:s11+s2], $0x80, v3, vm0, $0xb8;
	[tilespmem:$0x10080] =	vst v63  }
0x156: {  	_ =	swait.ge [sflag:s28], $0x10000  }
0x157: {  	p0 =	sne.s32 s12, $0x1;
	[sflag:s28] =	ssyncset.done $0x0  }
.Ltmp0:
0x158: {  	s0 =	rddreg [dreg:$0x6];
	[sflag:s28] =	ssyncadd.s32 $0xFFFF0000;
	(pc) =	sbr.rel @p0 .LBB2_1-.Ltmp0, $4  }
0x159: {  	[hbm4b:s0+s2] =	stream.linear.scatter [tilespmem:s14], [sflag:$0x2], $0x10000, $0x38;
	[tilespmem:$0x10080] =	vst v63  }
0x15a: {  	_ =	swait.ge [sflag:s13], $0x10000  }
0x15b: {  	[sflag:s13] =	ssyncset.done $0x0  }
0x15c: {  	s12 =	sadd.s32 $0xFFFFFFFF, s12;
	[sflag:s13] =	ssyncadd.s32 $0xFFFF0000  }
0x15d: {  	_ =	sfence.sel $0x180000  }
0x15e: {  	[bflag:$0x0] =	sbarrier.arrive $0xFFFF  }
0x15f: {  	_ =	strace $0x90000050  }
0x160: {  	s0 =	stileid.u32;
	[bflag:$0x2] =	sbarrier.arrive $0xFFFF  }
0x161: {  	p0 =	sne.s32 s0, $0x0;
	s0 =	rddreg [dreg:$0x2]  }
0x162: {  	s0 =	sadd.s32 @!p0 $0x100000, s0  }
0x163: {  	[sflag:s0] =	ssyncadd.tile.s32 @!p0 $0x1;
	_ =	shalt  }
.Lfunc_end2:
_tile_overlayer_lowered:
.L_overlay_start_2:
0x164: {  	(tag) =	ssettag $0x2  }
0x165: {  	s0 =	rddreg [dreg:$0x0];
	s2 =	stileid.u32  }
0x166: {  	s1 =	rddreg [dreg:$0x1];
	p0 =	sne.s32 s2, $0x0  }
0x167: {  	s3 =	rddreg [dreg:$0x2];
	[bflag:$0x3] =	sbarrier.arrive $0xFFFF;
	s2 =	simm.s32 @!p0 $0x1C02  }
0x168: {  	[timem:s3], [sflag:s2] =	dma.local @!p0 [hbm:s0], s1  }
0x169: {  	s0 =	simm.s32 @!p0 $0x2  }
0x16a: {  	_ =	swait.ge @!p0 [sflag:s0], s1  }
0x16b: {  	s1 =	ssub.s32 @!p0 $0x0, s1;
	[sflag:s0] =	ssyncset.done @!p0 $0x0  }
0x16c: {  	[sflag:s0] =	ssyncadd.s32 @!p0 s1  }
0x16d: {  	[bflag:$0x3] =	sbarrier.arrive $0xFFFF  }
0x16e: {  	_ =	shalt  }

</sc_bundles>
